<compile_context>
chip_gen: v7x
topology: tpu7x:2x2x1
jax: 0.10.2.dev20260603
libtpu: 0.0.44.dev20260713+nightly
codegen_flags: <defaults>
</compile_context>

<pallas_src>
import functools

import numpy as np

import jax
import jax.numpy as jnp
from jax import lax
from jax.experimental import pallas as pl
from jax.experimental.pallas import tpu as pltpu
from jax.experimental.pallas import tpu_sc as plsc

B = 4096
NUM_NUM = 13
NUM_CAT = 26
VOCAB = 100000
D = 64

NC = 2
NS = 16
NW = NC * NS
TOT_ROWS = B * NUM_CAT
ROWS_PER_W = TOT_ROWS // NW
N_GATHERS = ROWS_PER_W // 128
G_PER_CHUNK = 2
N_CHUNKS = N_GATHERS // G_PER_CHUNK

QROWS = NUM_CAT * VOCAB // 4


def _sc_gather_body(tables_hbm, idx_hbm, out_hbm, idx_v, rows_v, sem):
    wid = lax.axis_index("s") * NC + lax.axis_index("c")
    pltpu.sync_copy(idx_hbm.at[wid], idx_v)
    for c in range(N_CHUNKS):
        copies = []
        for j in range(G_PER_CHUNK):
            copies.append(pltpu.async_copy(
                tables_hbm.at[idx_v.at[pl.ds((c * G_PER_CHUNK + j) * 128, 128)]],
                rows_v.at[j],
                sem))
        for cp in copies:
            cp.wait()
        pltpu.sync_copy(
            rows_v,
            out_hbm.at[pl.ds(wid * N_GATHERS + c * G_PER_CHUNK, G_PER_CHUNK)])


@functools.partial(jax.jit, static_argnums=())
def _sc_gather(packed, idx2):
    mesh = plsc.VectorSubcoreMesh(
        core_axis_name="c", subcore_axis_name="s", num_cores=NC,
        num_subcores=NS)
    k = pl.kernel(
        _sc_gather_body,
        out_type=jax.ShapeDtypeStruct((NW * N_GATHERS, 128, 128), jnp.int32),
        mesh=mesh,
        scratch_types=[
            pltpu.VMEM((ROWS_PER_W,), jnp.int32),
            pltpu.VMEM((G_PER_CHUNK, 128, 128), jnp.int32),
            pltpu.SemaphoreType.DMA,
        ],
    )
    return k(packed, idx2)


BB = 256
N_FEAT = NUM_CAT + 1
N_TRI = N_FEAT * (N_FEAT - 1) // 2
T_COLS = D + N_TRI + 1


def _tc_body(num_ref, emb_ref, which_ref, bw1, bb1, bw2, bb2, bw3, bb3,
             tw1b, tw1e, tb1, tw2, tb2, tw3, tb3, tw4, tb4, tw5, tb5, out_ref):
    f32 = jnp.float32
    x = num_ref[...]
    h = jax.nn.relu(jnp.dot(x, bw1[...], preferred_element_type=f32) + bb1[...])
    h = jax.nn.relu(jnp.dot(h, bw2[...], preferred_element_type=f32) + bb2[...])
    bottom = jax.nn.relu(
        jnp.dot(h, bw3[...], preferred_element_type=f32) + bb3[...])

    quad = emb_ref[...]
    w = which_ref[...][:, :, None]
    g1 = jnp.where(w >= 2, quad[:, :, D:], quad[:, :, :D])
    g2 = jnp.where((w & 1) == 1, g1[:, :, D // 2:], g1[:, :, :D // 2])
    f_even = lax.bitcast_convert_type(g2 << 16, f32)
    f_odd = lax.bitcast_convert_type(
        g2 & jnp.int32(-65536), f32)
    emb = jnp.concatenate([f_even, f_odd], axis=2)
    g = jnp.concatenate([bottom[:, None, :], emb], axis=1)

    inter = lax.dot_general(g, g, (((2,), (2,)), ((0,), (0,))),
                            preferred_element_type=f32)
    r = inter.reshape(BB, N_FEAT * N_FEAT)

    t = jax.nn.relu(jnp.dot(bottom, tw1b[...], preferred_element_type=f32)
                    + jnp.dot(r, tw1e[...], preferred_element_type=f32)
                    + tb1[...])
    t = jax.nn.relu(jnp.dot(t, tw2[...], preferred_element_type=f32) + tb2[...])
    t = jax.nn.relu(jnp.dot(t, tw3[...], preferred_element_type=f32) + tb3[...])
    t = jax.nn.relu(jnp.dot(t, tw4[...], preferred_element_type=f32) + tb4[...])
    out_ref[...] = jax.nn.sigmoid(
        jnp.dot(t, tw5[...], preferred_element_type=f32) + tb5[...])


def _full(shape):
    return pl.BlockSpec(shape, lambda i: (0,) * len(shape))


def _tc_fused(numerical, emb3, which, bw1, bb1, bw2, bb2, bw3, bb3,
              tw1b, tw1e, tb1, tw2, tb2, tw3, tb3, tw4, tb4, tw5, tb5):
    grid = (B // BB,)
    in_specs = [
        pl.BlockSpec((BB, NUM_NUM), lambda i: (i, 0)),
        pl.BlockSpec((BB, NUM_CAT, 2 * D), lambda i: (i, 0, 0)),
        pl.BlockSpec((BB, NUM_CAT), lambda i: (i, 0)),
    ]
    weights = (bw1, bb1, bw2, bb2, bw3, bb3,
               tw1b, tw1e, tb1, tw2, tb2, tw3, tb3, tw4, tb4, tw5, tb5)
    for w in weights:
        in_specs.append(_full(w.shape))
    return pl.pallas_call(
        _tc_body,
        grid=grid,
        in_specs=in_specs,
        out_specs=pl.BlockSpec((BB, 1), lambda i: (i, 0)),
        out_shape=jax.ShapeDtypeStruct((B, 1), jnp.float32),
        compiler_params=pltpu.CompilerParams(
            dimension_semantics=("arbitrary",)),
    )(numerical, emb3, which, *weights)


def kernel(numerical_input, categorical_inputs, tables,
           bw1, bb1, bw2, bb2, bw3, bb3,
           tw1, tb1, tw2, tb2, tw3, tb3, tw4, tb4, tw5, tb5):
    offsets = jnp.arange(NUM_CAT, dtype=jnp.int32) * VOCAB
    flat_idx = (categorical_inputs.astype(jnp.int32)
                + offsets[None, :])
    quad_idx = (flat_idx >> 2).reshape(NW, ROWS_PER_W)
    which = flat_idx & 3
    packed = lax.bitcast_convert_type(
        tables.astype(jnp.bfloat16).reshape(QROWS, 128, 2), jnp.int32)
    emb_q = _sc_gather(packed, quad_idx)
    emb3 = emb_q.reshape(B, NUM_CAT, 2 * D)
    perm = np.concatenate([np.arange(0, D, 2), np.arange(1, D, 2)])
    bw3 = bw3[:, perm]
    bb3 = bb3[perm]
    biases = [b.reshape(1, -1) for b in (bb1, bb2, bb3, tb1, tb2, tb3, tb4, tb5)]
    rows, cols = np.tril_indices(N_FEAT, -1)
    pos = jnp.asarray(rows * N_FEAT + cols, dtype=jnp.int32)
    tw1b = tw1[:D][perm, :]
    tw1e = jnp.zeros((N_FEAT * N_FEAT, tw1.shape[1]), jnp.float32)
    tw1e = tw1e.at[pos].set(tw1[D:D + N_TRI])
    return _tc_fused(numerical_input, emb3, which,
                     bw1, biases[0], bw2, biases[1], bw3, biases[2],
                     tw1b, tw1e, biases[3], tw2, biases[4], tw3, biases[5],
                     tw4, biases[6], tw5, biases[7])

# --- scband reference (transcript-rebuilt; emitter-appended) ---
"""Pipeline reference for scband-dlrm-6116033429828 (READ-ONLY COPY).

The authoritative reference and input builder live on the scoring server;
editing this copy changes nothing except your own understanding.
"""

import jax, jax.numpy as jnp
import numpy as np

B = 4096
NUM_NUM = 13
NUM_CAT = 26
VOCAB = 100000
D = 64


def setup_inputs(seed: int = 0) -> dict:
    key = jax.random.key(seed)
    keys = jax.random.split(key, 20)
    inp = {}
    inp["numerical_input"] = jax.random.normal(keys[0], (B, NUM_NUM), jnp.float32)
    inp["categorical_inputs"] = jax.random.randint(keys[1], (B, NUM_CAT), 0, VOCAB)
    scale = float(np.sqrt(1.0 / VOCAB))
    inp["tables"] = jax.random.uniform(keys[2], (NUM_CAT * VOCAB, D), jnp.float32, -scale, scale)
    ki = 3
    bdims = [(NUM_NUM, 512), (512, 256), (256, D)]
    bnames = ["bw1", "bb1", "bw2", "bb2", "bw3", "bb3"]
    for i, (di, do) in enumerate(bdims):
        inp[bnames[2 * i]] = jax.random.normal(keys[ki], (di, do), jnp.float32) * np.sqrt(2.0 / (di + do)); ki += 1
        inp[bnames[2 * i + 1]] = jax.random.normal(keys[ki], (do,), jnp.float32) * np.sqrt(1.0 / do); ki += 1
    n_inter = (NUM_CAT + 1) * NUM_CAT // 2 + D  # 351 + 64 = 415
    tdims = [(n_inter + 1, 1024), (1024, 1024), (1024, 512), (512, 256), (256, 1)]
    tnames = ["tw1", "tb1", "tw2", "tb2", "tw3", "tb3", "tw4", "tb4", "tw5", "tb5"]
    for i, (di, do) in enumerate(tdims):
        inp[tnames[2 * i]] = jax.random.normal(keys[ki], (di, do), jnp.float32) * np.sqrt(2.0 / (di + do)); ki += 1
        inp[tnames[2 * i + 1]] = jax.random.normal(keys[ki], (do,), jnp.float32) * np.sqrt(1.0 / do); ki += 1
    # match torch init: zero the weight column feeding from the zero-padding input
    inp["tw1"] = inp["tw1"].at[-1, :].set(0.0)
    return inp


def reference(numerical_input, categorical_inputs, tables,
              bw1, bb1, bw2, bb2, bw3, bb3,
              tw1, tb1, tw2, tb2, tw3, tb3, tw4, tb4, tw5, tb5):
    batch_size = numerical_input.shape[0]
    # bottom MLP
    x = jax.nn.relu(numerical_input @ bw1 + bb1)
    x = jax.nn.relu(x @ bw2 + bb2)
    bottom = jax.nn.relu(x @ bw3 + bb3)  # [B, D]
    # embedding lookups: tables for all 26 fields stacked into one [26*V, D]
    offsets = (jnp.arange(NUM_CAT) * VOCAB).astype(categorical_inputs.dtype)
    flat_idx = categorical_inputs + offsets[None, :]  # [B, 26]
    emb = jnp.take(tables, flat_idx, axis=0)  # [B, 26, D]
    # dot interaction
    concat = jnp.concatenate([bottom[:, None, :], emb], axis=1)  # [B, 27, D]
    inter = jnp.einsum('bnd,bmd->bnm', concat, concat)  # [B, 27, 27]
    rows, cols = np.tril_indices(NUM_CAT + 1, -1)
    inter_flat = inter[:, rows, cols]  # [B, 351]
    zero_pad = jnp.zeros((batch_size, 1), jnp.float32)
    t = jnp.concatenate([bottom, inter_flat, zero_pad], axis=1)  # [B, 416]
    # top MLP
    t = jax.nn.relu(t @ tw1 + tb1)
    t = jax.nn.relu(t @ tw2 + tb2)
    t = jax.nn.relu(t @ tw3 + tb3)
    t = jax.nn.relu(t @ tw4 + tb4)
    out = jax.nn.sigmoid(t @ tw5 + tb5)
    return out

if __name__ == "__main__":
    import jax
    _d = setup_inputs()
    print(jax.jit(kernel)(*tuple(_d.values())))

</pallas_src>

<mosaic_0001>
#map = affine_map<(d0, d1) -> (0, 0)>
#map1 = affine_map<(d0, d1) -> (0, 0, 0)>
module attributes {stable_mosaic.version = 14 : i64} {
  func.func @_sc_gather_body(%arg0: i32, %arg1: i32, %arg2: memref<650000x128xi32, #tpu.memory_space<hbm>>, %arg3: memref<32x3328xi32, #tpu.memory_space<hbm>>, %arg4: memref<832x128x128xi32, #tpu.memory_space<hbm>>, %arg5: memref<3328xi32, #tpu.memory_space<vmem>>, %arg6: memref<2x128x128xi32, #tpu.memory_space<vmem>>, %arg7: memref<!tpu.dma_semaphore, #tpu.memory_space<semaphore_mem>>) attributes {dimension_semantics = [#tpu.dimension_semantics<core_parallel>, #tpu.dimension_semantics<subcore_parallel>], iteration_bounds = array<i64: 2, 16>, scalar_prefetch = 0 : i64, scratch_operands = 3 : i64, tpu.core_type = #tpu.core_type<sc_vector_subcore>, window_params = [{transform_indices = #map}, {transform_indices = #map}, {transform_indices = #map1}]} {
    %mul3A = arith.constant 2 : i32
    %mul3A_0 = arith.muli %arg1, %mul3A : i32
    %add3A = arith.addi %mul3A_0, %arg0 : i32
    "tpu.region"() ({
      %run_scoped3A = tpu.sem_alloc : memref<!tpu.dma_semaphore, #tpu.memory_space<semaphore_mem>>
      %dma_start3A_571 = arith.constant 0 : i32
      %dma_start3A_572 = tpu.memref_slice %arg3[%add3A, %dma_start3A_571] : memref<32x3328xi32, #tpu.memory_space<hbm>> -> memref<1x3328xi32, #tpu.memory_space<hbm>>
      %dma_start3A_573 = tpu.memref_squeeze %dma_start3A_572 : memref<1x3328xi32, #tpu.memory_space<hbm>> -> memref<3328xi32, #tpu.memory_space<hbm>>
      %dma_start3A_574 = arith.constant 0 : i32
      %dma_start3A_575 = tpu.memref_slice %arg3[%add3A, %dma_start3A_574] : memref<32x3328xi32, #tpu.memory_space<hbm>> -> memref<1x3328xi32, #tpu.memory_space<hbm>>
      %dma_start3A_576 = tpu.memref_squeeze %dma_start3A_575 : memref<1x3328xi32, #tpu.memory_space<hbm>> -> memref<3328xi32, #tpu.memory_space<hbm>>
      tpu.enqueue_dma source(%dma_start3A_576 : memref<3328xi32, #tpu.memory_space<hbm>>) target(%arg5 : memref<3328xi32, #tpu.memory_space<vmem>>) target_semaphore(%run_scoped3A : memref<!tpu.dma_semaphore, #tpu.memory_space<semaphore_mem>>)
      %dma_wait3A_577 = arith.constant 0 : i32
      %dma_wait3A_578 = tpu.memref_slice %arg3[%add3A, %dma_wait3A_577] : memref<32x3328xi32, #tpu.memory_space<hbm>> -> memref<1x3328xi32, #tpu.memory_space<hbm>>
      %dma_wait3A_579 = tpu.memref_squeeze %dma_wait3A_578 : memref<1x3328xi32, #tpu.memory_space<hbm>> -> memref<3328xi32, #tpu.memory_space<hbm>>
      %dma_wait3A_580 = arith.constant 0 : i32
      %dma_wait3A_581 = tpu.memref_slice %arg3[%add3A, %dma_wait3A_580] : memref<32x3328xi32, #tpu.memory_space<hbm>> -> memref<1x3328xi32, #tpu.memory_space<hbm>>
      %dma_wait3A_582 = tpu.memref_squeeze %dma_wait3A_581 : memref<1x3328xi32, #tpu.memory_space<hbm>> -> memref<3328xi32, #tpu.memory_space<hbm>>
      tpu.wait_dma2 semaphore(%run_scoped3A : memref<!tpu.dma_semaphore, #tpu.memory_space<semaphore_mem>>) src(%dma_wait3A_582 : memref<3328xi32, #tpu.memory_space<hbm>>) dst(%arg5 : memref<3328xi32, #tpu.memory_space<vmem>>)
      tpu.yield
    }) : () -> ()
    %dma_start3A = arith.constant 0 : i32
    %dma_start3A_1 = arith.constant 0 : i32
    %dma_start3A_2 = arith.constant 0 : i32
    %dma_start3A_3 = tpu.memref_slice %arg6[%dma_start3A, %dma_start3A_1, %dma_start3A_2] : memref<2x128x128xi32, #tpu.memory_space<vmem>> -> memref<1x128x128xi32, #tpu.memory_space<vmem>>
    %dma_start3A_4 = tpu.memref_squeeze %dma_start3A_3 : memref<1x128x128xi32, #tpu.memory_space<vmem>> -> memref<128x128xi32, #tpu.memory_space<vmem>>
    %dma_start3A_5 = arith.constant 0 : i32
    %dma_start3A_6 = tpu.memref_slice %arg5[%dma_start3A_5] : memref<3328xi32, #tpu.memory_space<vmem>> -> memref<128xi32, #tpu.memory_space<vmem>>
    %dma_start3A_7 = arith.constant 0 : i32
    %dma_start3A_8 = arith.constant 0 : i32
    %dma_start3A_9 = tpu.memref_slice %arg2[%dma_start3A_7, %dma_start3A_8] : memref<650000x128xi32, #tpu.memory_space<hbm>> -> memref<650000x128xi32, #tpu.memory_space<hbm>>
    tpu.enqueue_indirect_dma source(%dma_start3A_9 : memref<650000x128xi32, #tpu.memory_space<hbm>>) target(%dma_start3A_4 : memref<128x128xi32, #tpu.memory_space<vmem>>) offsets(%dma_start3A_6 : memref<128xi32, #tpu.memory_space<vmem>>) semaphore(%arg7 : memref<!tpu.dma_semaphore, #tpu.memory_space<semaphore_mem>>)
    %dma_start3A_10 = arith.constant 1 : i32
    %dma_start3A_11 = arith.constant 0 : i32
    %dma_start3A_12 = arith.constant 0 : i32
    %dma_start3A_13 = tpu.memref_slice %arg6[%dma_start3A_10, %dma_start3A_11, %dma_start3A_12] : memref<2x128x128xi32, #tpu.memory_space<vmem>> -> memref<1x128x128xi32, #tpu.memory_space<vmem>>
    %dma_start3A_14 = tpu.memref_squeeze %dma_start3A_13 : memref<1x128x128xi32, #tpu.memory_space<vmem>> -> memref<128x128xi32, #tpu.memory_space<vmem>>
    %dma_start3A_15 = arith.constant 128 : i32
    %dma_start3A_16 = tpu.memref_slice %arg5[%dma_start3A_15] : memref<3328xi32, #tpu.memory_space<vmem>> -> memref<128xi32, #tpu.memory_space<vmem>>
    %dma_start3A_17 = arith.constant 0 : i32
    %dma_start3A_18 = arith.constant 0 : i32
    %dma_start3A_19 = tpu.memref_slice %arg2[%dma_start3A_17, %dma_start3A_18] : memref<650000x128xi32, #tpu.memory_space<hbm>> -> memref<650000x128xi32, #tpu.memory_space<hbm>>
    tpu.enqueue_indirect_dma source(%dma_start3A_19 : memref<650000x128xi32, #tpu.memory_space<hbm>>) target(%dma_start3A_14 : memref<128x128xi32, #tpu.memory_space<vmem>>) offsets(%dma_start3A_16 : memref<128xi32, #tpu.memory_space<vmem>>) semaphore(%arg7 : memref<!tpu.dma_semaphore, #tpu.memory_space<semaphore_mem>>)
    %dma_wait3A = arith.constant 0 : i32
    %dma_wait3A_20 = arith.constant 0 : i32
    %dma_wait3A_21 = arith.constant 0 : i32
    %dma_wait3A_22 = tpu.memref_slice %arg6[%dma_wait3A, %dma_wait3A_20, %dma_wait3A_21] : memref<2x128x128xi32, #tpu.memory_space<vmem>> -> memref<1x128x128xi32, #tpu.memory_space<vmem>>
    %dma_wait3A_23 = tpu.memref_squeeze %dma_wait3A_22 : memref<1x128x128xi32, #tpu.memory_space<vmem>> -> memref<128x128xi32, #tpu.memory_space<vmem>>
    %dma_wait3A_24 = arith.constant 0 : i32
    %dma_wait3A_25 = tpu.memref_slice %arg5[%dma_wait3A_24] : memref<3328xi32, #tpu.memory_space<vmem>> -> memref<128xi32, #tpu.memory_space<vmem>>
    %dma_wait3A_26 = arith.constant 0 : i32
    %dma_wait3A_27 = arith.constant 0 : i32
    %dma_wait3A_28 = tpu.memref_slice %arg2[%dma_wait3A_26, %dma_wait3A_27] : memref<650000x128xi32, #tpu.memory_space<hbm>> -> memref<650000x128xi32, #tpu.memory_space<hbm>>
    tpu.wait_indirect_dma semaphore(%arg7 : memref<!tpu.dma_semaphore, #tpu.memory_space<semaphore_mem>>) src(%dma_wait3A_28 : memref<650000x128xi32, #tpu.memory_space<hbm>>) dst(%dma_wait3A_23 : memref<128x128xi32, #tpu.memory_space<vmem>>)
    %dma_wait3A_29 = arith.constant 1 : i32
    %dma_wait3A_30 = arith.constant 0 : i32
    %dma_wait3A_31 = arith.constant 0 : i32
    %dma_wait3A_32 = tpu.memref_slice %arg6[%dma_wait3A_29, %dma_wait3A_30, %dma_wait3A_31] : memref<2x128x128xi32, #tpu.memory_space<vmem>> -> memref<1x128x128xi32, #tpu.memory_space<vmem>>
    %dma_wait3A_33 = tpu.memref_squeeze %dma_wait3A_32 : memref<1x128x128xi32, #tpu.memory_space<vmem>> -> memref<128x128xi32, #tpu.memory_space<vmem>>
    %dma_wait3A_34 = arith.constant 128 : i32
    %dma_wait3A_35 = tpu.memref_slice %arg5[%dma_wait3A_34] : memref<3328xi32, #tpu.memory_space<vmem>> -> memref<128xi32, #tpu.memory_space<vmem>>
    %dma_wait3A_36 = arith.constant 0 : i32
    %dma_wait3A_37 = arith.constant 0 : i32
    %dma_wait3A_38 = tpu.memref_slice %arg2[%dma_wait3A_36, %dma_wait3A_37] : memref<650000x128xi32, #tpu.memory_space<hbm>> -> memref<650000x128xi32, #tpu.memory_space<hbm>>
    tpu.wait_indirect_dma semaphore(%arg7 : memref<!tpu.dma_semaphore, #tpu.memory_space<semaphore_mem>>) src(%dma_wait3A_38 : memref<650000x128xi32, #tpu.memory_space<hbm>>) dst(%dma_wait3A_33 : memref<128x128xi32, #tpu.memory_space<vmem>>)
    %mul3A_39 = arith.constant 26 : i32
    %mul3A_40 = arith.muli %add3A, %mul3A_39 : i32
    %add3A_41 = arith.constant 0 : i32
    %add3A_42 = arith.addi %mul3A_40, %add3A_41 : i32
    "tpu.region"() ({
      %run_scoped3A = tpu.sem_alloc : memref<!tpu.dma_semaphore, #tpu.memory_space<semaphore_mem>>
      %dma_start3A_571 = arith.constant 0 : i32
      %dma_start3A_572 = arith.constant 0 : i32
      %dma_start3A_573 = tpu.memref_slice %arg4[%add3A_42, %dma_start3A_571, %dma_start3A_572] : memref<832x128x128xi32, #tpu.memory_space<hbm>> -> memref<2x128x128xi32, #tpu.memory_space<hbm>>
      %dma_start3A_574 = arith.constant 0 : i32
      %dma_start3A_575 = arith.constant 0 : i32
      %dma_start3A_576 = tpu.memref_slice %arg4[%add3A_42, %dma_start3A_574, %dma_start3A_575] : memref<832x128x128xi32, #tpu.memory_space<hbm>> -> memref<2x128x128xi32, #tpu.memory_space<hbm>>
      tpu.enqueue_dma source(%arg6 : memref<2x128x128xi32, #tpu.memory_space<vmem>>) target(%dma_start3A_576 : memref<2x128x128xi32, #tpu.memory_space<hbm>>) target_semaphore(%run_scoped3A : memref<!tpu.dma_semaphore, #tpu.memory_space<semaphore_mem>>)
      %dma_wait3A_577 = arith.constant 0 : i32
      %dma_wait3A_578 = arith.constant 0 : i32
      %dma_wait3A_579 = tpu.memref_slice %arg4[%add3A_42, %dma_wait3A_577, %dma_wait3A_578] : memref<832x128x128xi32, #tpu.memory_space<hbm>> -> memref<2x128x128xi32, #tpu.memory_space<hbm>>
      %dma_wait3A_580 = arith.constant 0 : i32
      %dma_wait3A_581 = arith.constant 0 : i32
      %dma_wait3A_582 = tpu.memref_slice %arg4[%add3A_42, %dma_wait3A_580, %dma_wait3A_581] : memref<832x128x128xi32, #tpu.memory_space<hbm>> -> memref<2x128x128xi32, #tpu.memory_space<hbm>>
      tpu.wait_dma2 semaphore(%run_scoped3A : memref<!tpu.dma_semaphore, #tpu.memory_space<semaphore_mem>>) src(%arg6 : memref<2x128x128xi32, #tpu.memory_space<vmem>>) dst(%dma_wait3A_582 : memref<2x128x128xi32, #tpu.memory_space<hbm>>)
      tpu.yield
    }) : () -> ()
    %dma_start3A_43 = arith.constant 0 : i32
    %dma_start3A_44 = arith.constant 0 : i32
    %dma_start3A_45 = arith.constant 0 : i32
    %dma_start3A_46 = tpu.memref_slice %arg6[%dma_start3A_43, %dma_start3A_44, %dma_start3A_45] : memref<2x128x128xi32, #tpu.memory_space<vmem>> -> memref<1x128x128xi32, #tpu.memory_space<vmem>>
    %dma_start3A_47 = tpu.memref_squeeze %dma_start3A_46 : memref<1x128x128xi32, #tpu.memory_space<vmem>> -> memref<128x128xi32, #tpu.memory_space<vmem>>
    %dma_start3A_48 = arith.constant 256 : i32
    %dma_start3A_49 = tpu.memref_slice %arg5[%dma_start3A_48] : memref<3328xi32, #tpu.memory_space<vmem>> -> memref<128xi32, #tpu.memory_space<vmem>>
    %dma_start3A_50 = arith.constant 0 : i32
    %dma_start3A_51 = arith.constant 0 : i32
    %dma_start3A_52 = tpu.memref_slice %arg2[%dma_start3A_50, %dma_start3A_51] : memref<650000x128xi32, #tpu.memory_space<hbm>> -> memref<650000x128xi32, #tpu.memory_space<hbm>>
    tpu.enqueue_indirect_dma source(%dma_start3A_52 : memref<650000x128xi32, #tpu.memory_space<hbm>>) target(%dma_start3A_47 : memref<128x128xi32, #tpu.memory_space<vmem>>) offsets(%dma_start3A_49 : memref<128xi32, #tpu.memory_space<vmem>>) semaphore(%arg7 : memref<!tpu.dma_semaphore, #tpu.memory_space<semaphore_mem>>)
    %dma_start3A_53 = arith.constant 1 : i32
    %dma_start3A_54 = arith.constant 0 : i32
    %dma_start3A_55 = arith.constant 0 : i32
    %dma_start3A_56 = tpu.memref_slice %arg6[%dma_start3A_53, %dma_start3A_54, %dma_start3A_55] : memref<2x128x128xi32, #tpu.memory_space<vmem>> -> memref<1x128x128xi32, #tpu.memory_space<vmem>>
    %dma_start3A_57 = tpu.memref_squeeze %dma_start3A_56 : memref<1x128x128xi32, #tpu.memory_space<vmem>> -> memref<128x128xi32, #tpu.memory_space<vmem>>
    %dma_start3A_58 = arith.constant 384 : i32
    %dma_start3A_59 = tpu.memref_slice %arg5[%dma_start3A_58] : memref<3328xi32, #tpu.memory_space<vmem>> -> memref<128xi32, #tpu.memory_space<vmem>>
    %dma_start3A_60 = arith.constant 0 : i32
    %dma_start3A_61 = arith.constant 0 : i32
    %dma_start3A_62 = tpu.memref_slice %arg2[%dma_start3A_60, %dma_start3A_61] : memref<650000x128xi32, #tpu.memory_space<hbm>> -> memref<650000x128xi32, #tpu.memory_space<hbm>>
    tpu.enqueue_indirect_dma source(%dma_start3A_62 : memref<650000x128xi32, #tpu.memory_space<hbm>>) target(%dma_start3A_57 : memref<128x128xi32, #tpu.memory_space<vmem>>) offsets(%dma_start3A_59 : memref<128xi32, #tpu.memory_space<vmem>>) semaphore(%arg7 : memref<!tpu.dma_semaphore, #tpu.memory_space<semaphore_mem>>)
    %dma_wait3A_63 = arith.constant 0 : i32
    %dma_wait3A_64 = arith.constant 0 : i32
    %dma_wait3A_65 = arith.constant 0 : i32
    %dma_wait3A_66 = tpu.memref_slice %arg6[%dma_wait3A_63, %dma_wait3A_64, %dma_wait3A_65] : memref<2x128x128xi32, #tpu.memory_space<vmem>> -> memref<1x128x128xi32, #tpu.memory_space<vmem>>
    %dma_wait3A_67 = tpu.memref_squeeze %dma_wait3A_66 : memref<1x128x128xi32, #tpu.memory_space<vmem>> -> memref<128x128xi32, #tpu.memory_space<vmem>>
    %dma_wait3A_68 = arith.constant 256 : i32
    %dma_wait3A_69 = tpu.memref_slice %arg5[%dma_wait3A_68] : memref<3328xi32, #tpu.memory_space<vmem>> -> memref<128xi32, #tpu.memory_space<vmem>>
    %dma_wait3A_70 = arith.constant 0 : i32
    %dma_wait3A_71 = arith.constant 0 : i32
    %dma_wait3A_72 = tpu.memref_slice %arg2[%dma_wait3A_70, %dma_wait3A_71] : memref<650000x128xi32, #tpu.memory_space<hbm>> -> memref<650000x128xi32, #tpu.memory_space<hbm>>
    tpu.wait_indirect_dma semaphore(%arg7 : memref<!tpu.dma_semaphore, #tpu.memory_space<semaphore_mem>>) src(%dma_wait3A_72 : memref<650000x128xi32, #tpu.memory_space<hbm>>) dst(%dma_wait3A_67 : memref<128x128xi32, #tpu.memory_space<vmem>>)
    %dma_wait3A_73 = arith.constant 1 : i32
    %dma_wait3A_74 = arith.constant 0 : i32
    %dma_wait3A_75 = arith.constant 0 : i32
    %dma_wait3A_76 = tpu.memref_slice %arg6[%dma_wait3A_73, %dma_wait3A_74, %dma_wait3A_75] : memref<2x128x128xi32, #tpu.memory_space<vmem>> -> memref<1x128x128xi32, #tpu.memory_space<vmem>>
    %dma_wait3A_77 = tpu.memref_squeeze %dma_wait3A_76 : memref<1x128x128xi32, #tpu.memory_space<vmem>> -> memref<128x128xi32, #tpu.memory_space<vmem>>
    %dma_wait3A_78 = arith.constant 384 : i32
    %dma_wait3A_79 = tpu.memref_slice %arg5[%dma_wait3A_78] : memref<3328xi32, #tpu.memory_space<vmem>> -> memref<128xi32, #tpu.memory_space<vmem>>
    %dma_wait3A_80 = arith.constant 0 : i32
    %dma_wait3A_81 = arith.constant 0 : i32
    %dma_wait3A_82 = tpu.memref_slice %arg2[%dma_wait3A_80, %dma_wait3A_81] : memref<650000x128xi32, #tpu.memory_space<hbm>> -> memref<650000x128xi32, #tpu.memory_space<hbm>>
    tpu.wait_indirect_dma semaphore(%arg7 : memref<!tpu.dma_semaphore, #tpu.memory_space<semaphore_mem>>) src(%dma_wait3A_82 : memref<650000x128xi32, #tpu.memory_space<hbm>>) dst(%dma_wait3A_77 : memref<128x128xi32, #tpu.memory_space<vmem>>)
    %mul3A_83 = arith.constant 26 : i32
    %mul3A_84 = arith.muli %add3A, %mul3A_83 : i32
    %add3A_85 = arith.constant 2 : i32
    %add3A_86 = arith.addi %mul3A_84, %add3A_85 : i32
    "tpu.region"() ({
      %run_scoped3A = tpu.sem_alloc : memref<!tpu.dma_semaphore, #tpu.memory_space<semaphore_mem>>
      %dma_start3A_571 = arith.constant 0 : i32
      %dma_start3A_572 = arith.constant 0 : i32
      %dma_start3A_573 = tpu.memref_slice %arg4[%add3A_86, %dma_start3A_571, %dma_start3A_572] : memref<832x128x128xi32, #tpu.memory_space<hbm>> -> memref<2x128x128xi32, #tpu.memory_space<hbm>>
      %dma_start3A_574 = arith.constant 0 : i32
      %dma_start3A_575 = arith.constant 0 : i32
      %dma_start3A_576 = tpu.memref_slice %arg4[%add3A_86, %dma_start3A_574, %dma_start3A_575] : memref<832x128x128xi32, #tpu.memory_space<hbm>> -> memref<2x128x128xi32, #tpu.memory_space<hbm>>
      tpu.enqueue_dma source(%arg6 : memref<2x128x128xi32, #tpu.memory_space<vmem>>) target(%dma_start3A_576 : memref<2x128x128xi32, #tpu.memory_space<hbm>>) target_semaphore(%run_scoped3A : memref<!tpu.dma_semaphore, #tpu.memory_space<semaphore_mem>>)
      %dma_wait3A_577 = arith.constant 0 : i32
      %dma_wait3A_578 = arith.constant 0 : i32
      %dma_wait3A_579 = tpu.memref_slice %arg4[%add3A_86, %dma_wait3A_577, %dma_wait3A_578] : memref<832x128x128xi32, #tpu.memory_space<hbm>> -> memref<2x128x128xi32, #tpu.memory_space<hbm>>
      %dma_wait3A_580 = arith.constant 0 : i32
      %dma_wait3A_581 = arith.constant 0 : i32
      %dma_wait3A_582 = tpu.memref_slice %arg4[%add3A_86, %dma_wait3A_580, %dma_wait3A_581] : memref<832x128x128xi32, #tpu.memory_space<hbm>> -> memref<2x128x128xi32, #tpu.memory_space<hbm>>
      tpu.wait_dma2 semaphore(%run_scoped3A : memref<!tpu.dma_semaphore, #tpu.memory_space<semaphore_mem>>) src(%arg6 : memref<2x128x128xi32, #tpu.memory_space<vmem>>) dst(%dma_wait3A_582 : memref<2x128x128xi32, #tpu.memory_space<hbm>>)
      tpu.yield
    }) : () -> ()
    %dma_start3A_87 = arith.constant 0 : i32
    %dma_start3A_88 = arith.constant 0 : i32
    %dma_start3A_89 = arith.constant 0 : i32
    %dma_start3A_90 = tpu.memref_slice %arg6[%dma_start3A_87, %dma_start3A_88, %dma_start3A_89] : memref<2x128x128xi32, #tpu.memory_space<vmem>> -> memref<1x128x128xi32, #tpu.memory_space<vmem>>
    %dma_start3A_91 = tpu.memref_squeeze %dma_start3A_90 : memref<1x128x128xi32, #tpu.memory_space<vmem>> -> memref<128x128xi32, #tpu.memory_space<vmem>>
    %dma_start3A_92 = arith.constant 512 : i32
    %dma_start3A_93 = tpu.memref_slice %arg5[%dma_start3A_92] : memref<3328xi32, #tpu.memory_space<vmem>> -> memref<128xi32, #tpu.memory_space<vmem>>
    %dma_start3A_94 = arith.constant 0 : i32
    %dma_start3A_95 = arith.constant 0 : i32
    %dma_start3A_96 = tpu.memref_slice %arg2[%dma_start3A_94, %dma_start3A_95] : memref<650000x128xi32, #tpu.memory_space<hbm>> -> memref<650000x128xi32, #tpu.memory_space<hbm>>
    tpu.enqueue_indirect_dma source(%dma_start3A_96 : memref<650000x128xi32, #tpu.memory_space<hbm>>) target(%dma_start3A_91 : memref<128x128xi32, #tpu.memory_space<vmem>>) offsets(%dma_start3A_93 : memref<128xi32, #tpu.memory_space<vmem>>) semaphore(%arg7 : memref<!tpu.dma_semaphore, #tpu.memory_space<semaphore_mem>>)
    %dma_start3A_97 = arith.constant 1 : i32
    %dma_start3A_98 = arith.constant 0 : i32
    %dma_start3A_99 = arith.constant 0 : i32
    %dma_start3A_100 = tpu.memref_slice %arg6[%dma_start3A_97, %dma_start3A_98, %dma_start3A_99] : memref<2x128x128xi32, #tpu.memory_space<vmem>> -> memref<1x128x128xi32, #tpu.memory_space<vmem>>
    %dma_start3A_101 = tpu.memref_squeeze %dma_start3A_100 : memref<1x128x128xi32, #tpu.memory_space<vmem>> -> memref<128x128xi32, #tpu.memory_space<vmem>>
    %dma_start3A_102 = arith.constant 640 : i32
    %dma_start3A_103 = tpu.memref_slice %arg5[%dma_start3A_102] : memref<3328xi32, #tpu.memory_space<vmem>> -> memref<128xi32, #tpu.memory_space<vmem>>
    %dma_start3A_104 = arith.constant 0 : i32
    %dma_start3A_105 = arith.constant 0 : i32
    %dma_start3A_106 = tpu.memref_slice %arg2[%dma_start3A_104, %dma_start3A_105] : memref<650000x128xi32, #tpu.memory_space<hbm>> -> memref<650000x128xi32, #tpu.memory_space<hbm>>
    tpu.enqueue_indirect_dma source(%dma_start3A_106 : memref<650000x128xi32, #tpu.memory_space<hbm>>) target(%dma_start3A_101 : memref<128x128xi32, #tpu.memory_space<vmem>>) offsets(%dma_start3A_103 : memref<128xi32, #tpu.memory_space<vmem>>) semaphore(%arg7 : memref<!tpu.dma_semaphore, #tpu.memory_space<semaphore_mem>>)
    %dma_wait3A_107 = arith.constant 0 : i32
    %dma_wait3A_108 = arith.constant 0 : i32
    %dma_wait3A_109 = arith.constant 0 : i32
    %dma_wait3A_110 = tpu.memref_slice %arg6[%dma_wait3A_107, %dma_wait3A_108, %dma_wait3A_109] : memref<2x128x128xi32, #tpu.memory_space<vmem>> -> memref<1x128x128xi32, #tpu.memory_space<vmem>>
    %dma_wait3A_111 = tpu.memref_squeeze %dma_wait3A_110 : memref<1x128x128xi32, #tpu.memory_space<vmem>> -> memref<128x128xi32, #tpu.memory_space<vmem>>
    %dma_wait3A_112 = arith.constant 512 : i32
    %dma_wait3A_113 = tpu.memref_slice %arg5[%dma_wait3A_112] : memref<3328xi32, #tpu.memory_space<vmem>> -> memref<128xi32, #tpu.memory_space<vmem>>
    %dma_wait3A_114 = arith.constant 0 : i32
    %dma_wait3A_115 = arith.constant 0 : i32
    %dma_wait3A_116 = tpu.memref_slice %arg2[%dma_wait3A_114, %dma_wait3A_115] : memref<650000x128xi32, #tpu.memory_space<hbm>> -> memref<650000x128xi32, #tpu.memory_space<hbm>>
    tpu.wait_indirect_dma semaphore(%arg7 : memref<!tpu.dma_semaphore, #tpu.memory_space<semaphore_mem>>) src(%dma_wait3A_116 : memref<650000x128xi32, #tpu.memory_space<hbm>>) dst(%dma_wait3A_111 : memref<128x128xi32, #tpu.memory_space<vmem>>)
    %dma_wait3A_117 = arith.constant 1 : i32
    %dma_wait3A_118 = arith.constant 0 : i32
    %dma_wait3A_119 = arith.constant 0 : i32
    %dma_wait3A_120 = tpu.memref_slice %arg6[%dma_wait3A_117, %dma_wait3A_118, %dma_wait3A_119] : memref<2x128x128xi32, #tpu.memory_space<vmem>> -> memref<1x128x128xi32, #tpu.memory_space<vmem>>
    %dma_wait3A_121 = tpu.memref_squeeze %dma_wait3A_120 : memref<1x128x128xi32, #tpu.memory_space<vmem>> -> memref<128x128xi32, #tpu.memory_space<vmem>>
    %dma_wait3A_122 = arith.constant 640 : i32
    %dma_wait3A_123 = tpu.memref_slice %arg5[%dma_wait3A_122] : memref<3328xi32, #tpu.memory_space<vmem>> -> memref<128xi32, #tpu.memory_space<vmem>>
    %dma_wait3A_124 = arith.constant 0 : i32
    %dma_wait3A_125 = arith.constant 0 : i32
    %dma_wait3A_126 = tpu.memref_slice %arg2[%dma_wait3A_124, %dma_wait3A_125] : memref<650000x128xi32, #tpu.memory_space<hbm>> -> memref<650000x128xi32, #tpu.memory_space<hbm>>
    tpu.wait_indirect_dma semaphore(%arg7 : memref<!tpu.dma_semaphore, #tpu.memory_space<semaphore_mem>>) src(%dma_wait3A_126 : memref<650000x128xi32, #tpu.memory_space<hbm>>) dst(%dma_wait3A_121 : memref<128x128xi32, #tpu.memory_space<vmem>>)
    %mul3A_127 = arith.constant 26 : i32
    %mul3A_128 = arith.muli %add3A, %mul3A_127 : i32
    %add3A_129 = arith.constant 4 : i32
    %add3A_130 = arith.addi %mul3A_128, %add3A_129 : i32
    "tpu.region"() ({
      %run_scoped3A = tpu.sem_alloc : memref<!tpu.dma_semaphore, #tpu.memory_space<semaphore_mem>>
      %dma_start3A_571 = arith.constant 0 : i32
      %dma_start3A_572 = arith.constant 0 : i32
      %dma_start3A_573 = tpu.memref_slice %arg4[%add3A_130, %dma_start3A_571, %dma_start3A_572] : memref<832x128x128xi32, #tpu.memory_space<hbm>> -> memref<2x128x128xi32, #tpu.memory_space<hbm>>
      %dma_start3A_574 = arith.constant 0 : i32
      %dma_start3A_575 = arith.constant 0 : i32
      %dma_start3A_576 = tpu.memref_slice %arg4[%add3A_130, %dma_start3A_574, %dma_start3A_575] : memref<832x128x128xi32, #tpu.memory_space<hbm>> -> memref<2x128x128xi32, #tpu.memory_space<hbm>>
      tpu.enqueue_dma source(%arg6 : memref<2x128x128xi32, #tpu.memory_space<vmem>>) target(%dma_start3A_576 : memref<2x128x128xi32, #tpu.memory_space<hbm>>) target_semaphore(%run_scoped3A : memref<!tpu.dma_semaphore, #tpu.memory_space<semaphore_mem>>)
      %dma_wait3A_577 = arith.constant 0 : i32
      %dma_wait3A_578 = arith.constant 0 : i32
      %dma_wait3A_579 = tpu.memref_slice %arg4[%add3A_130, %dma_wait3A_577, %dma_wait3A_578] : memref<832x128x128xi32, #tpu.memory_space<hbm>> -> memref<2x128x128xi32, #tpu.memory_space<hbm>>
      %dma_wait3A_580 = arith.constant 0 : i32
      %dma_wait3A_581 = arith.constant 0 : i32
      %dma_wait3A_582 = tpu.memref_slice %arg4[%add3A_130, %dma_wait3A_580, %dma_wait3A_581] : memref<832x128x128xi32, #tpu.memory_space<hbm>> -> memref<2x128x128xi32, #tpu.memory_space<hbm>>
      tpu.wait_dma2 semaphore(%run_scoped3A : memref<!tpu.dma_semaphore, #tpu.memory_space<semaphore_mem>>) src(%arg6 : memref<2x128x128xi32, #tpu.memory_space<vmem>>) dst(%dma_wait3A_582 : memref<2x128x128xi32, #tpu.memory_space<hbm>>)
      tpu.yield
    }) : () -> ()
    %dma_start3A_131 = arith.constant 0 : i32
    %dma_start3A_132 = arith.constant 0 : i32
    %dma_start3A_133 = arith.constant 0 : i32
    %dma_start3A_134 = tpu.memref_slice %arg6[%dma_start3A_131, %dma_start3A_132, %dma_start3A_133] : memref<2x128x128xi32, #tpu.memory_space<vmem>> -> memref<1x128x128xi32, #tpu.memory_space<vmem>>
    %dma_start3A_135 = tpu.memref_squeeze %dma_start3A_134 : memref<1x128x128xi32, #tpu.memory_space<vmem>> -> memref<128x128xi32, #tpu.memory_space<vmem>>
    %dma_start3A_136 = arith.constant 768 : i32
    %dma_start3A_137 = tpu.memref_slice %arg5[%dma_start3A_136] : memref<3328xi32, #tpu.memory_space<vmem>> -> memref<128xi32, #tpu.memory_space<vmem>>
    %dma_start3A_138 = arith.constant 0 : i32
    %dma_start3A_139 = arith.constant 0 : i32
    %dma_start3A_140 = tpu.memref_slice %arg2[%dma_start3A_138, %dma_start3A_139] : memref<650000x128xi32, #tpu.memory_space<hbm>> -> memref<650000x128xi32, #tpu.memory_space<hbm>>
    tpu.enqueue_indirect_dma source(%dma_start3A_140 : memref<650000x128xi32, #tpu.memory_space<hbm>>) target(%dma_start3A_135 : memref<128x128xi32, #tpu.memory_space<vmem>>) offsets(%dma_start3A_137 : memref<128xi32, #tpu.memory_space<vmem>>) semaphore(%arg7 : memref<!tpu.dma_semaphore, #tpu.memory_space<semaphore_mem>>)
    %dma_start3A_141 = arith.constant 1 : i32
    %dma_start3A_142 = arith.constant 0 : i32
    %dma_start3A_143 = arith.constant 0 : i32
    %dma_start3A_144 = tpu.memref_slice %arg6[%dma_start3A_141, %dma_start3A_142, %dma_start3A_143] : memref<2x128x128xi32, #tpu.memory_space<vmem>> -> memref<1x128x128xi32, #tpu.memory_space<vmem>>
    %dma_start3A_145 = tpu.memref_squeeze %dma_start3A_144 : memref<1x128x128xi32, #tpu.memory_space<vmem>> -> memref<128x128xi32, #tpu.memory_space<vmem>>
    %dma_start3A_146 = arith.constant 896 : i32
    %dma_start3A_147 = tpu.memref_slice %arg5[%dma_start3A_146] : memref<3328xi32, #tpu.memory_space<vmem>> -> memref<128xi32, #tpu.memory_space<vmem>>
    %dma_start3A_148 = arith.constant 0 : i32
    %dma_start3A_149 = arith.constant 0 : i32
    %dma_start3A_150 = tpu.memref_slice %arg2[%dma_start3A_148, %dma_start3A_149] : memref<650000x128xi32, #tpu.memory_space<hbm>> -> memref<650000x128xi32, #tpu.memory_space<hbm>>
    tpu.enqueue_indirect_dma source(%dma_start3A_150 : memref<650000x128xi32, #tpu.memory_space<hbm>>) target(%dma_start3A_145 : memref<128x128xi32, #tpu.memory_space<vmem>>) offsets(%dma_start3A_147 : memref<128xi32, #tpu.memory_space<vmem>>) semaphore(%arg7 : memref<!tpu.dma_semaphore, #tpu.memory_space<semaphore_mem>>)
    %dma_wait3A_151 = arith.constant 0 : i32
    %dma_wait3A_152 = arith.constant 0 : i32
    %dma_wait3A_153 = arith.constant 0 : i32
    %dma_wait3A_154 = tpu.memref_slice %arg6[%dma_wait3A_151, %dma_wait3A_152, %dma_wait3A_153] : memref<2x128x128xi32, #tpu.memory_space<vmem>> -> memref<1x128x128xi32, #tpu.memory_space<vmem>>
    %dma_wait3A_155 = tpu.memref_squeeze %dma_wait3A_154 : memref<1x128x128xi32, #tpu.memory_space<vmem>> -> memref<128x128xi32, #tpu.memory_space<vmem>>
    %dma_wait3A_156 = arith.constant 768 : i32
    %dma_wait3A_157 = tpu.memref_slice %arg5[%dma_wait3A_156] : memref<3328xi32, #tpu.memory_space<vmem>> -> memref<128xi32, #tpu.memory_space<vmem>>
    %dma_wait3A_158 = arith.constant 0 : i32
    %dma_wait3A_159 = arith.constant 0 : i32
    %dma_wait3A_160 = tpu.memref_slice %arg2[%dma_wait3A_158, %dma_wait3A_159] : memref<650000x128xi32, #tpu.memory_space<hbm>> -> memref<650000x128xi32, #tpu.memory_space<hbm>>
    tpu.wait_indirect_dma semaphore(%arg7 : memref<!tpu.dma_semaphore, #tpu.memory_space<semaphore_mem>>) src(%dma_wait3A_160 : memref<650000x128xi32, #tpu.memory_space<hbm>>) dst(%dma_wait3A_155 : memref<128x128xi32, #tpu.memory_space<vmem>>)
    %dma_wait3A_161 = arith.constant 1 : i32
    %dma_wait3A_162 = arith.constant 0 : i32
    %dma_wait3A_163 = arith.constant 0 : i32
    %dma_wait3A_164 = tpu.memref_slice %arg6[%dma_wait3A_161, %dma_wait3A_162, %dma_wait3A_163] : memref<2x128x128xi32, #tpu.memory_space<vmem>> -> memref<1x128x128xi32, #tpu.memory_space<vmem>>
    %dma_wait3A_165 = tpu.memref_squeeze %dma_wait3A_164 : memref<1x128x128xi32, #tpu.memory_space<vmem>> -> memref<128x128xi32, #tpu.memory_space<vmem>>
    %dma_wait3A_166 = arith.constant 896 : i32
    %dma_wait3A_167 = tpu.memref_slice %arg5[%dma_wait3A_166] : memref<3328xi32, #tpu.memory_space<vmem>> -> memref<128xi32, #tpu.memory_space<vmem>>
    %dma_wait3A_168 = arith.constant 0 : i32
    %dma_wait3A_169 = arith.constant 0 : i32
    %dma_wait3A_170 = tpu.memref_slice %arg2[%dma_wait3A_168, %dma_wait3A_169] : memref<650000x128xi32, #tpu.memory_space<hbm>> -> memref<650000x128xi32, #tpu.memory_space<hbm>>
    tpu.wait_indirect_dma semaphore(%arg7 : memref<!tpu.dma_semaphore, #tpu.memory_space<semaphore_mem>>) src(%dma_wait3A_170 : memref<650000x128xi32, #tpu.memory_space<hbm>>) dst(%dma_wait3A_165 : memref<128x128xi32, #tpu.memory_space<vmem>>)
    %mul3A_171 = arith.constant 26 : i32
    %mul3A_172 = arith.muli %add3A, %mul3A_171 : i32
    %add3A_173 = arith.constant 6 : i32
    %add3A_174 = arith.addi %mul3A_172, %add3A_173 : i32
    "tpu.region"() ({
      %run_scoped3A = tpu.sem_alloc : memref<!tpu.dma_semaphore, #tpu.memory_space<semaphore_mem>>
      %dma_start3A_571 = arith.constant 0 : i32
      %dma_start3A_572 = arith.constant 0 : i32
      %dma_start3A_573 = tpu.memref_slice %arg4[%add3A_174, %dma_start3A_571, %dma_start3A_572] : memref<832x128x128xi32, #tpu.memory_space<hbm>> -> memref<2x128x128xi32, #tpu.memory_space<hbm>>
      %dma_start3A_574 = arith.constant 0 : i32
      %dma_start3A_575 = arith.constant 0 : i32
      %dma_start3A_576 = tpu.memref_slice %arg4[%add3A_174, %dma_start3A_574, %dma_start3A_575] : memref<832x128x128xi32, #tpu.memory_space<hbm>> -> memref<2x128x128xi32, #tpu.memory_space<hbm>>
      tpu.enqueue_dma source(%arg6 : memref<2x128x128xi32, #tpu.memory_space<vmem>>) target(%dma_start3A_576 : memref<2x128x128xi32, #tpu.memory_space<hbm>>) target_semaphore(%run_scoped3A : memref<!tpu.dma_semaphore, #tpu.memory_space<semaphore_mem>>)
      %dma_wait3A_577 = arith.constant 0 : i32
      %dma_wait3A_578 = arith.constant 0 : i32
      %dma_wait3A_579 = tpu.memref_slice %arg4[%add3A_174, %dma_wait3A_577, %dma_wait3A_578] : memref<832x128x128xi32, #tpu.memory_space<hbm>> -> memref<2x128x128xi32, #tpu.memory_space<hbm>>
      %dma_wait3A_580 = arith.constant 0 : i32
      %dma_wait3A_581 = arith.constant 0 : i32
      %dma_wait3A_582 = tpu.memref_slice %arg4[%add3A_174, %dma_wait3A_580, %dma_wait3A_581] : memref<832x128x128xi32, #tpu.memory_space<hbm>> -> memref<2x128x128xi32, #tpu.memory_space<hbm>>
      tpu.wait_dma2 semaphore(%run_scoped3A : memref<!tpu.dma_semaphore, #tpu.memory_space<semaphore_mem>>) src(%arg6 : memref<2x128x128xi32, #tpu.memory_space<vmem>>) dst(%dma_wait3A_582 : memref<2x128x128xi32, #tpu.memory_space<hbm>>)
      tpu.yield
    }) : () -> ()
    %dma_start3A_175 = arith.constant 0 : i32
    %dma_start3A_176 = arith.constant 0 : i32
    %dma_start3A_177 = arith.constant 0 : i32
    %dma_start3A_178 = tpu.memref_slice %arg6[%dma_start3A_175, %dma_start3A_176, %dma_start3A_177] : memref<2x128x128xi32, #tpu.memory_space<vmem>> -> memref<1x128x128xi32, #tpu.memory_space<vmem>>
    %dma_start3A_179 = tpu.memref_squeeze %dma_start3A_178 : memref<1x128x128xi32, #tpu.memory_space<vmem>> -> memref<128x128xi32, #tpu.memory_space<vmem>>
    %dma_start3A_180 = arith.constant 1024 : i32
    %dma_start3A_181 = tpu.memref_slice %arg5[%dma_start3A_180] : memref<3328xi32, #tpu.memory_space<vmem>> -> memref<128xi32, #tpu.memory_space<vmem>>
    %dma_start3A_182 = arith.constant 0 : i32
    %dma_start3A_183 = arith.constant 0 : i32
    %dma_start3A_184 = tpu.memref_slice %arg2[%dma_start3A_182, %dma_start3A_183] : memref<650000x128xi32, #tpu.memory_space<hbm>> -> memref<650000x128xi32, #tpu.memory_space<hbm>>
    tpu.enqueue_indirect_dma source(%dma_start3A_184 : memref<650000x128xi32, #tpu.memory_space<hbm>>) target(%dma_start3A_179 : memref<128x128xi32, #tpu.memory_space<vmem>>) offsets(%dma_start3A_181 : memref<128xi32, #tpu.memory_space<vmem>>) semaphore(%arg7 : memref<!tpu.dma_semaphore, #tpu.memory_space<semaphore_mem>>)
    %dma_start3A_185 = arith.constant 1 : i32
    %dma_start3A_186 = arith.constant 0 : i32
    %dma_start3A_187 = arith.constant 0 : i32
    %dma_start3A_188 = tpu.memref_slice %arg6[%dma_start3A_185, %dma_start3A_186, %dma_start3A_187] : memref<2x128x128xi32, #tpu.memory_space<vmem>> -> memref<1x128x128xi32, #tpu.memory_space<vmem>>
    %dma_start3A_189 = tpu.memref_squeeze %dma_start3A_188 : memref<1x128x128xi32, #tpu.memory_space<vmem>> -> memref<128x128xi32, #tpu.memory_space<vmem>>
    %dma_start3A_190 = arith.constant 1152 : i32
    %dma_start3A_191 = tpu.memref_slice %arg5[%dma_start3A_190] : memref<3328xi32, #tpu.memory_space<vmem>> -> memref<128xi32, #tpu.memory_space<vmem>>
    %dma_start3A_192 = arith.constant 0 : i32
    %dma_start3A_193 = arith.constant 0 : i32
    %dma_start3A_194 = tpu.memref_slice %arg2[%dma_start3A_192, %dma_start3A_193] : memref<650000x128xi32, #tpu.memory_space<hbm>> -> memref<650000x128xi32, #tpu.memory_space<hbm>>
    tpu.enqueue_indirect_dma source(%dma_start3A_194 : memref<650000x128xi32, #tpu.memory_space<hbm>>) target(%dma_start3A_189 : memref<128x128xi32, #tpu.memory_space<vmem>>) offsets(%dma_start3A_191 : memref<128xi32, #tpu.memory_space<vmem>>) semaphore(%arg7 : memref<!tpu.dma_semaphore, #tpu.memory_space<semaphore_mem>>)
    %dma_wait3A_195 = arith.constant 0 : i32
    %dma_wait3A_196 = arith.constant 0 : i32
    %dma_wait3A_197 = arith.constant 0 : i32
    %dma_wait3A_198 = tpu.memref_slice %arg6[%dma_wait3A_195, %dma_wait3A_196, %dma_wait3A_197] : memref<2x128x128xi32, #tpu.memory_space<vmem>> -> memref<1x128x128xi32, #tpu.memory_space<vmem>>
    %dma_wait3A_199 = tpu.memref_squeeze %dma_wait3A_198 : memref<1x128x128xi32, #tpu.memory_space<vmem>> -> memref<128x128xi32, #tpu.memory_space<vmem>>
    %dma_wait3A_200 = arith.constant 1024 : i32
    %dma_wait3A_201 = tpu.memref_slice %arg5[%dma_wait3A_200] : memref<3328xi32, #tpu.memory_space<vmem>> -> memref<128xi32, #tpu.memory_space<vmem>>
    %dma_wait3A_202 = arith.constant 0 : i32
    %dma_wait3A_203 = arith.constant 0 : i32
    %dma_wait3A_204 = tpu.memref_slice %arg2[%dma_wait3A_202, %dma_wait3A_203] : memref<650000x128xi32, #tpu.memory_space<hbm>> -> memref<650000x128xi32, #tpu.memory_space<hbm>>
    tpu.wait_indirect_dma semaphore(%arg7 : memref<!tpu.dma_semaphore, #tpu.memory_space<semaphore_mem>>) src(%dma_wait3A_204 : memref<650000x128xi32, #tpu.memory_space<hbm>>) dst(%dma_wait3A_199 : memref<128x128xi32, #tpu.memory_space<vmem>>)
    %dma_wait3A_205 = arith.constant 1 : i32
    %dma_wait3A_206 = arith.constant 0 : i32
    %dma_wait3A_207 = arith.constant 0 : i32
    %dma_wait3A_208 = tpu.memref_slice %arg6[%dma_wait3A_205, %dma_wait3A_206, %dma_wait3A_207] : memref<2x128x128xi32, #tpu.memory_space<vmem>> -> memref<1x128x128xi32, #tpu.memory_space<vmem>>
    %dma_wait3A_209 = tpu.memref_squeeze %dma_wait3A_208 : memref<1x128x128xi32, #tpu.memory_space<vmem>> -> memref<128x128xi32, #tpu.memory_space<vmem>>
    %dma_wait3A_210 = arith.constant 1152 : i32
    %dma_wait3A_211 = tpu.memref_slice %arg5[%dma_wait3A_210] : memref<3328xi32, #tpu.memory_space<vmem>> -> memref<128xi32, #tpu.memory_space<vmem>>
    %dma_wait3A_212 = arith.constant 0 : i32
    %dma_wait3A_213 = arith.constant 0 : i32
    %dma_wait3A_214 = tpu.memref_slice %arg2[%dma_wait3A_212, %dma_wait3A_213] : memref<650000x128xi32, #tpu.memory_space<hbm>> -> memref<650000x128xi32, #tpu.memory_space<hbm>>
    tpu.wait_indirect_dma semaphore(%arg7 : memref<!tpu.dma_semaphore, #tpu.memory_space<semaphore_mem>>) src(%dma_wait3A_214 : memref<650000x128xi32, #tpu.memory_space<hbm>>) dst(%dma_wait3A_209 : memref<128x128xi32, #tpu.memory_space<vmem>>)
    %mul3A_215 = arith.constant 26 : i32
    %mul3A_216 = arith.muli %add3A, %mul3A_215 : i32
    %add3A_217 = arith.constant 8 : i32
    %add3A_218 = arith.addi %mul3A_216, %add3A_217 : i32
    "tpu.region"() ({
      %run_scoped3A = tpu.sem_alloc : memref<!tpu.dma_semaphore, #tpu.memory_space<semaphore_mem>>
      %dma_start3A_571 = arith.constant 0 : i32
      %dma_start3A_572 = arith.constant 0 : i32
      %dma_start3A_573 = tpu.memref_slice %arg4[%add3A_218, %dma_start3A_571, %dma_start3A_572] : memref<832x128x128xi32, #tpu.memory_space<hbm>> -> memref<2x128x128xi32, #tpu.memory_space<hbm>>
      %dma_start3A_574 = arith.constant 0 : i32
      %dma_start3A_575 = arith.constant 0 : i32
      %dma_start3A_576 = tpu.memref_slice %arg4[%add3A_218, %dma_start3A_574, %dma_start3A_575] : memref<832x128x128xi32, #tpu.memory_space<hbm>> -> memref<2x128x128xi32, #tpu.memory_space<hbm>>
      tpu.enqueue_dma source(%arg6 : memref<2x128x128xi32, #tpu.memory_space<vmem>>) target(%dma_start3A_576 : memref<2x128x128xi32, #tpu.memory_space<hbm>>) target_semaphore(%run_scoped3A : memref<!tpu.dma_semaphore, #tpu.memory_space<semaphore_mem>>)
      %dma_wait3A_577 = arith.constant 0 : i32
      %dma_wait3A_578 = arith.constant 0 : i32
      %dma_wait3A_579 = tpu.memref_slice %arg4[%add3A_218, %dma_wait3A_577, %dma_wait3A_578] : memref<832x128x128xi32, #tpu.memory_space<hbm>> -> memref<2x128x128xi32, #tpu.memory_space<hbm>>
      %dma_wait3A_580 = arith.constant 0 : i32
      %dma_wait3A_581 = arith.constant 0 : i32
      %dma_wait3A_582 = tpu.memref_slice %arg4[%add3A_218, %dma_wait3A_580, %dma_wait3A_581] : memref<832x128x128xi32, #tpu.memory_space<hbm>> -> memref<2x128x128xi32, #tpu.memory_space<hbm>>
      tpu.wait_dma2 semaphore(%run_scoped3A : memref<!tpu.dma_semaphore, #tpu.memory_space<semaphore_mem>>) src(%arg6 : memref<2x128x128xi32, #tpu.memory_space<vmem>>) dst(%dma_wait3A_582 : memref<2x128x128xi32, #tpu.memory_space<hbm>>)
      tpu.yield
    }) : () -> ()
    %dma_start3A_219 = arith.constant 0 : i32
    %dma_start3A_220 = arith.constant 0 : i32
    %dma_start3A_221 = arith.constant 0 : i32
    %dma_start3A_222 = tpu.memref_slice %arg6[%dma_start3A_219, %dma_start3A_220, %dma_start3A_221] : memref<2x128x128xi32, #tpu.memory_space<vmem>> -> memref<1x128x128xi32, #tpu.memory_space<vmem>>
    %dma_start3A_223 = tpu.memref_squeeze %dma_start3A_222 : memref<1x128x128xi32, #tpu.memory_space<vmem>> -> memref<128x128xi32, #tpu.memory_space<vmem>>
    %dma_start3A_224 = arith.constant 1280 : i32
    %dma_start3A_225 = tpu.memref_slice %arg5[%dma_start3A_224] : memref<3328xi32, #tpu.memory_space<vmem>> -> memref<128xi32, #tpu.memory_space<vmem>>
    %dma_start3A_226 = arith.constant 0 : i32
    %dma_start3A_227 = arith.constant 0 : i32
    %dma_start3A_228 = tpu.memref_slice %arg2[%dma_start3A_226, %dma_start3A_227] : memref<650000x128xi32, #tpu.memory_space<hbm>> -> memref<650000x128xi32, #tpu.memory_space<hbm>>
    tpu.enqueue_indirect_dma source(%dma_start3A_228 : memref<650000x128xi32, #tpu.memory_space<hbm>>) target(%dma_start3A_223 : memref<128x128xi32, #tpu.memory_space<vmem>>) offsets(%dma_start3A_225 : memref<128xi32, #tpu.memory_space<vmem>>) semaphore(%arg7 : memref<!tpu.dma_semaphore, #tpu.memory_space<semaphore_mem>>)
    %dma_start3A_229 = arith.constant 1 : i32
    %dma_start3A_230 = arith.constant 0 : i32
    %dma_start3A_231 = arith.constant 0 : i32
    %dma_start3A_232 = tpu.memref_slice %arg6[%dma_start3A_229, %dma_start3A_230, %dma_start3A_231] : memref<2x128x128xi32, #tpu.memory_space<vmem>> -> memref<1x128x128xi32, #tpu.memory_space<vmem>>
    %dma_start3A_233 = tpu.memref_squeeze %dma_start3A_232 : memref<1x128x128xi32, #tpu.memory_space<vmem>> -> memref<128x128xi32, #tpu.memory_space<vmem>>
    %dma_start3A_234 = arith.constant 1408 : i32
    %dma_start3A_235 = tpu.memref_slice %arg5[%dma_start3A_234] : memref<3328xi32, #tpu.memory_space<vmem>> -> memref<128xi32, #tpu.memory_space<vmem>>
    %dma_start3A_236 = arith.constant 0 : i32
    %dma_start3A_237 = arith.constant 0 : i32
    %dma_start3A_238 = tpu.memref_slice %arg2[%dma_start3A_236, %dma_start3A_237] : memref<650000x128xi32, #tpu.memory_space<hbm>> -> memref<650000x128xi32, #tpu.memory_space<hbm>>
    tpu.enqueue_indirect_dma source(%dma_start3A_238 : memref<650000x128xi32, #tpu.memory_space<hbm>>) target(%dma_start3A_233 : memref<128x128xi32, #tpu.memory_space<vmem>>) offsets(%dma_start3A_235 : memref<128xi32, #tpu.memory_space<vmem>>) semaphore(%arg7 : memref<!tpu.dma_semaphore, #tpu.memory_space<semaphore_mem>>)
    %dma_wait3A_239 = arith.constant 0 : i32
    %dma_wait3A_240 = arith.constant 0 : i32
    %dma_wait3A_241 = arith.constant 0 : i32
    %dma_wait3A_242 = tpu.memref_slice %arg6[%dma_wait3A_239, %dma_wait3A_240, %dma_wait3A_241] : memref<2x128x128xi32, #tpu.memory_space<vmem>> -> memref<1x128x128xi32, #tpu.memory_space<vmem>>
    %dma_wait3A_243 = tpu.memref_squeeze %dma_wait3A_242 : memref<1x128x128xi32, #tpu.memory_space<vmem>> -> memref<128x128xi32, #tpu.memory_space<vmem>>
    %dma_wait3A_244 = arith.constant 1280 : i32
    %dma_wait3A_245 = tpu.memref_slice %arg5[%dma_wait3A_244] : memref<3328xi32, #tpu.memory_space<vmem>> -> memref<128xi32, #tpu.memory_space<vmem>>
    %dma_wait3A_246 = arith.constant 0 : i32
    %dma_wait3A_247 = arith.constant 0 : i32
    %dma_wait3A_248 = tpu.memref_slice %arg2[%dma_wait3A_246, %dma_wait3A_247] : memref<650000x128xi32, #tpu.memory_space<hbm>> -> memref<650000x128xi32, #tpu.memory_space<hbm>>
    tpu.wait_indirect_dma semaphore(%arg7 : memref<!tpu.dma_semaphore, #tpu.memory_space<semaphore_mem>>) src(%dma_wait3A_248 : memref<650000x128xi32, #tpu.memory_space<hbm>>) dst(%dma_wait3A_243 : memref<128x128xi32, #tpu.memory_space<vmem>>)
    %dma_wait3A_249 = arith.constant 1 : i32
    %dma_wait3A_250 = arith.constant 0 : i32
    %dma_wait3A_251 = arith.constant 0 : i32
    %dma_wait3A_252 = tpu.memref_slice %arg6[%dma_wait3A_249, %dma_wait3A_250, %dma_wait3A_251] : memref<2x128x128xi32, #tpu.memory_space<vmem>> -> memref<1x128x128xi32, #tpu.memory_space<vmem>>
    %dma_wait3A_253 = tpu.memref_squeeze %dma_wait3A_252 : memref<1x128x128xi32, #tpu.memory_space<vmem>> -> memref<128x128xi32, #tpu.memory_space<vmem>>
    %dma_wait3A_254 = arith.constant 1408 : i32
    %dma_wait3A_255 = tpu.memref_slice %arg5[%dma_wait3A_254] : memref<3328xi32, #tpu.memory_space<vmem>> -> memref<128xi32, #tpu.memory_space<vmem>>
    %dma_wait3A_256 = arith.constant 0 : i32
    %dma_wait3A_257 = arith.constant 0 : i32
    %dma_wait3A_258 = tpu.memref_slice %arg2[%dma_wait3A_256, %dma_wait3A_257] : memref<650000x128xi32, #tpu.memory_space<hbm>> -> memref<650000x128xi32, #tpu.memory_space<hbm>>
    tpu.wait_indirect_dma semaphore(%arg7 : memref<!tpu.dma_semaphore, #tpu.memory_space<semaphore_mem>>) src(%dma_wait3A_258 : memref<650000x128xi32, #tpu.memory_space<hbm>>) dst(%dma_wait3A_253 : memref<128x128xi32, #tpu.memory_space<vmem>>)
    %mul3A_259 = arith.constant 26 : i32
    %mul3A_260 = arith.muli %add3A, %mul3A_259 : i32
    %add3A_261 = arith.constant 10 : i32
    %add3A_262 = arith.addi %mul3A_260, %add3A_261 : i32
    "tpu.region"() ({
      %run_scoped3A = tpu.sem_alloc : memref<!tpu.dma_semaphore, #tpu.memory_space<semaphore_mem>>
      %dma_start3A_571 = arith.constant 0 : i32
      %dma_start3A_572 = arith.constant 0 : i32
      %dma_start3A_573 = tpu.memref_slice %arg4[%add3A_262, %dma_start3A_571, %dma_start3A_572] : memref<832x128x128xi32, #tpu.memory_space<hbm>> -> memref<2x128x128xi32, #tpu.memory_space<hbm>>
      %dma_start3A_574 = arith.constant 0 : i32
      %dma_start3A_575 = arith.constant 0 : i32
      %dma_start3A_576 = tpu.memref_slice %arg4[%add3A_262, %dma_start3A_574, %dma_start3A_575] : memref<832x128x128xi32, #tpu.memory_space<hbm>> -> memref<2x128x128xi32, #tpu.memory_space<hbm>>
      tpu.enqueue_dma source(%arg6 : memref<2x128x128xi32, #tpu.memory_space<vmem>>) target(%dma_start3A_576 : memref<2x128x128xi32, #tpu.memory_space<hbm>>) target_semaphore(%run_scoped3A : memref<!tpu.dma_semaphore, #tpu.memory_space<semaphore_mem>>)
      %dma_wait3A_577 = arith.constant 0 : i32
      %dma_wait3A_578 = arith.constant 0 : i32
      %dma_wait3A_579 = tpu.memref_slice %arg4[%add3A_262, %dma_wait3A_577, %dma_wait3A_578] : memref<832x128x128xi32, #tpu.memory_space<hbm>> -> memref<2x128x128xi32, #tpu.memory_space<hbm>>
      %dma_wait3A_580 = arith.constant 0 : i32
      %dma_wait3A_581 = arith.constant 0 : i32
      %dma_wait3A_582 = tpu.memref_slice %arg4[%add3A_262, %dma_wait3A_580, %dma_wait3A_581] : memref<832x128x128xi32, #tpu.memory_space<hbm>> -> memref<2x128x128xi32, #tpu.memory_space<hbm>>
      tpu.wait_dma2 semaphore(%run_scoped3A : memref<!tpu.dma_semaphore, #tpu.memory_space<semaphore_mem>>) src(%arg6 : memref<2x128x128xi32, #tpu.memory_space<vmem>>) dst(%dma_wait3A_582 : memref<2x128x128xi32, #tpu.memory_space<hbm>>)
      tpu.yield
    }) : () -> ()
    %dma_start3A_263 = arith.constant 0 : i32
    %dma_start3A_264 = arith.constant 0 : i32
    %dma_start3A_265 = arith.constant 0 : i32
    %dma_start3A_266 = tpu.memref_slice %arg6[%dma_start3A_263, %dma_start3A_264, %dma_start3A_265] : memref<2x128x128xi32, #tpu.memory_space<vmem>> -> memref<1x128x128xi32, #tpu.memory_space<vmem>>
    %dma_start3A_267 = tpu.memref_squeeze %dma_start3A_266 : memref<1x128x128xi32, #tpu.memory_space<vmem>> -> memref<128x128xi32, #tpu.memory_space<vmem>>
    %dma_start3A_268 = arith.constant 1536 : i32
    %dma_start3A_269 = tpu.memref_slice %arg5[%dma_start3A_268] : memref<3328xi32, #tpu.memory_space<vmem>> -> memref<128xi32, #tpu.memory_space<vmem>>
    %dma_start3A_270 = arith.constant 0 : i32
    %dma_start3A_271 = arith.constant 0 : i32
    %dma_start3A_272 = tpu.memref_slice %arg2[%dma_start3A_270, %dma_start3A_271] : memref<650000x128xi32, #tpu.memory_space<hbm>> -> memref<650000x128xi32, #tpu.memory_space<hbm>>
    tpu.enqueue_indirect_dma source(%dma_start3A_272 : memref<650000x128xi32, #tpu.memory_space<hbm>>) target(%dma_start3A_267 : memref<128x128xi32, #tpu.memory_space<vmem>>) offsets(%dma_start3A_269 : memref<128xi32, #tpu.memory_space<vmem>>) semaphore(%arg7 : memref<!tpu.dma_semaphore, #tpu.memory_space<semaphore_mem>>)
    %dma_start3A_273 = arith.constant 1 : i32
    %dma_start3A_274 = arith.constant 0 : i32
    %dma_start3A_275 = arith.constant 0 : i32
    %dma_start3A_276 = tpu.memref_slice %arg6[%dma_start3A_273, %dma_start3A_274, %dma_start3A_275] : memref<2x128x128xi32, #tpu.memory_space<vmem>> -> memref<1x128x128xi32, #tpu.memory_space<vmem>>
    %dma_start3A_277 = tpu.memref_squeeze %dma_start3A_276 : memref<1x128x128xi32, #tpu.memory_space<vmem>> -> memref<128x128xi32, #tpu.memory_space<vmem>>
    %dma_start3A_278 = arith.constant 1664 : i32
    %dma_start3A_279 = tpu.memref_slice %arg5[%dma_start3A_278] : memref<3328xi32, #tpu.memory_space<vmem>> -> memref<128xi32, #tpu.memory_space<vmem>>
    %dma_start3A_280 = arith.constant 0 : i32
    %dma_start3A_281 = arith.constant 0 : i32
    %dma_start3A_282 = tpu.memref_slice %arg2[%dma_start3A_280, %dma_start3A_281] : memref<650000x128xi32, #tpu.memory_space<hbm>> -> memref<650000x128xi32, #tpu.memory_space<hbm>>
    tpu.enqueue_indirect_dma source(%dma_start3A_282 : memref<650000x128xi32, #tpu.memory_space<hbm>>) target(%dma_start3A_277 : memref<128x128xi32, #tpu.memory_space<vmem>>) offsets(%dma_start3A_279 : memref<128xi32, #tpu.memory_space<vmem>>) semaphore(%arg7 : memref<!tpu.dma_semaphore, #tpu.memory_space<semaphore_mem>>)
    %dma_wait3A_283 = arith.constant 0 : i32
    %dma_wait3A_284 = arith.constant 0 : i32
    %dma_wait3A_285 = arith.constant 0 : i32
    %dma_wait3A_286 = tpu.memref_slice %arg6[%dma_wait3A_283, %dma_wait3A_284, %dma_wait3A_285] : memref<2x128x128xi32, #tpu.memory_space<vmem>> -> memref<1x128x128xi32, #tpu.memory_space<vmem>>
    %dma_wait3A_287 = tpu.memref_squeeze %dma_wait3A_286 : memref<1x128x128xi32, #tpu.memory_space<vmem>> -> memref<128x128xi32, #tpu.memory_space<vmem>>
    %dma_wait3A_288 = arith.constant 1536 : i32
    %dma_wait3A_289 = tpu.memref_slice %arg5[%dma_wait3A_288] : memref<3328xi32, #tpu.memory_space<vmem>> -> memref<128xi32, #tpu.memory_space<vmem>>
    %dma_wait3A_290 = arith.constant 0 : i32
    %dma_wait3A_291 = arith.constant 0 : i32
    %dma_wait3A_292 = tpu.memref_slice %arg2[%dma_wait3A_290, %dma_wait3A_291] : memref<650000x128xi32, #tpu.memory_space<hbm>> -> memref<650000x128xi32, #tpu.memory_space<hbm>>
    tpu.wait_indirect_dma semaphore(%arg7 : memref<!tpu.dma_semaphore, #tpu.memory_space<semaphore_mem>>) src(%dma_wait3A_292 : memref<650000x128xi32, #tpu.memory_space<hbm>>) dst(%dma_wait3A_287 : memref<128x128xi32, #tpu.memory_space<vmem>>)
    %dma_wait3A_293 = arith.constant 1 : i32
    %dma_wait3A_294 = arith.constant 0 : i32
    %dma_wait3A_295 = arith.constant 0 : i32
    %dma_wait3A_296 = tpu.memref_slice %arg6[%dma_wait3A_293, %dma_wait3A_294, %dma_wait3A_295] : memref<2x128x128xi32, #tpu.memory_space<vmem>> -> memref<1x128x128xi32, #tpu.memory_space<vmem>>
    %dma_wait3A_297 = tpu.memref_squeeze %dma_wait3A_296 : memref<1x128x128xi32, #tpu.memory_space<vmem>> -> memref<128x128xi32, #tpu.memory_space<vmem>>
    %dma_wait3A_298 = arith.constant 1664 : i32
    %dma_wait3A_299 = tpu.memref_slice %arg5[%dma_wait3A_298] : memref<3328xi32, #tpu.memory_space<vmem>> -> memref<128xi32, #tpu.memory_space<vmem>>
    %dma_wait3A_300 = arith.constant 0 : i32
    %dma_wait3A_301 = arith.constant 0 : i32
    %dma_wait3A_302 = tpu.memref_slice %arg2[%dma_wait3A_300, %dma_wait3A_301] : memref<650000x128xi32, #tpu.memory_space<hbm>> -> memref<650000x128xi32, #tpu.memory_space<hbm>>
    tpu.wait_indirect_dma semaphore(%arg7 : memref<!tpu.dma_semaphore, #tpu.memory_space<semaphore_mem>>) src(%dma_wait3A_302 : memref<650000x128xi32, #tpu.memory_space<hbm>>) dst(%dma_wait3A_297 : memref<128x128xi32, #tpu.memory_space<vmem>>)
    %mul3A_303 = arith.constant 26 : i32
    %mul3A_304 = arith.muli %add3A, %mul3A_303 : i32
    %add3A_305 = arith.constant 12 : i32
    %add3A_306 = arith.addi %mul3A_304, %add3A_305 : i32
    "tpu.region"() ({
      %run_scoped3A = tpu.sem_alloc : memref<!tpu.dma_semaphore, #tpu.memory_space<semaphore_mem>>
      %dma_start3A_571 = arith.constant 0 : i32
      %dma_start3A_572 = arith.constant 0 : i32
      %dma_start3A_573 = tpu.memref_slice %arg4[%add3A_306, %dma_start3A_571, %dma_start3A_572] : memref<832x128x128xi32, #tpu.memory_space<hbm>> -> memref<2x128x128xi32, #tpu.memory_space<hbm>>
      %dma_start3A_574 = arith.constant 0 : i32
      %dma_start3A_575 = arith.constant 0 : i32
      %dma_start3A_576 = tpu.memref_slice %arg4[%add3A_306, %dma_start3A_574, %dma_start3A_575] : memref<832x128x128xi32, #tpu.memory_space<hbm>> -> memref<2x128x128xi32, #tpu.memory_space<hbm>>
      tpu.enqueue_dma source(%arg6 : memref<2x128x128xi32, #tpu.memory_space<vmem>>) target(%dma_start3A_576 : memref<2x128x128xi32, #tpu.memory_space<hbm>>) target_semaphore(%run_scoped3A : memref<!tpu.dma_semaphore, #tpu.memory_space<semaphore_mem>>)
      %dma_wait3A_577 = arith.constant 0 : i32
      %dma_wait3A_578 = arith.constant 0 : i32
      %dma_wait3A_579 = tpu.memref_slice %arg4[%add3A_306, %dma_wait3A_577, %dma_wait3A_578] : memref<832x128x128xi32, #tpu.memory_space<hbm>> -> memref<2x128x128xi32, #tpu.memory_space<hbm>>
      %dma_wait3A_580 = arith.constant 0 : i32
      %dma_wait3A_581 = arith.constant 0 : i32
      %dma_wait3A_582 = tpu.memref_slice %arg4[%add3A_306, %dma_wait3A_580, %dma_wait3A_581] : memref<832x128x128xi32, #tpu.memory_space<hbm>> -> memref<2x128x128xi32, #tpu.memory_space<hbm>>
      tpu.wait_dma2 semaphore(%run_scoped3A : memref<!tpu.dma_semaphore, #tpu.memory_space<semaphore_mem>>) src(%arg6 : memref<2x128x128xi32, #tpu.memory_space<vmem>>) dst(%dma_wait3A_582 : memref<2x128x128xi32, #tpu.memory_space<hbm>>)
      tpu.yield
    }) : () -> ()
    %dma_start3A_307 = arith.constant 0 : i32
    %dma_start3A_308 = arith.constant 0 : i32
    %dma_start3A_309 = arith.constant 0 : i32
    %dma_start3A_310 = tpu.memref_slice %arg6[%dma_start3A_307, %dma_start3A_308, %dma_start3A_309] : memref<2x128x128xi32, #tpu.memory_space<vmem>> -> memref<1x128x128xi32, #tpu.memory_space<vmem>>
    %dma_start3A_311 = tpu.memref_squeeze %dma_start3A_310 : memref<1x128x128xi32, #tpu.memory_space<vmem>> -> memref<128x128xi32, #tpu.memory_space<vmem>>
    %dma_start3A_312 = arith.constant 1792 : i32
    %dma_start3A_313 = tpu.memref_slice %arg5[%dma_start3A_312] : memref<3328xi32, #tpu.memory_space<vmem>> -> memref<128xi32, #tpu.memory_space<vmem>>
    %dma_start3A_314 = arith.constant 0 : i32
    %dma_start3A_315 = arith.constant 0 : i32
    %dma_start3A_316 = tpu.memref_slice %arg2[%dma_start3A_314, %dma_start3A_315] : memref<650000x128xi32, #tpu.memory_space<hbm>> -> memref<650000x128xi32, #tpu.memory_space<hbm>>
    tpu.enqueue_indirect_dma source(%dma_start3A_316 : memref<650000x128xi32, #tpu.memory_space<hbm>>) target(%dma_start3A_311 : memref<128x128xi32, #tpu.memory_space<vmem>>) offsets(%dma_start3A_313 : memref<128xi32, #tpu.memory_space<vmem>>) semaphore(%arg7 : memref<!tpu.dma_semaphore, #tpu.memory_space<semaphore_mem>>)
    %dma_start3A_317 = arith.constant 1 : i32
    %dma_start3A_318 = arith.constant 0 : i32
    %dma_start3A_319 = arith.constant 0 : i32
    %dma_start3A_320 = tpu.memref_slice %arg6[%dma_start3A_317, %dma_start3A_318, %dma_start3A_319] : memref<2x128x128xi32, #tpu.memory_space<vmem>> -> memref<1x128x128xi32, #tpu.memory_space<vmem>>
    %dma_start3A_321 = tpu.memref_squeeze %dma_start3A_320 : memref<1x128x128xi32, #tpu.memory_space<vmem>> -> memref<128x128xi32, #tpu.memory_space<vmem>>
    %dma_start3A_322 = arith.constant 1920 : i32
    %dma_start3A_323 = tpu.memref_slice %arg5[%dma_start3A_322] : memref<3328xi32, #tpu.memory_space<vmem>> -> memref<128xi32, #tpu.memory_space<vmem>>
    %dma_start3A_324 = arith.constant 0 : i32
    %dma_start3A_325 = arith.constant 0 : i32
    %dma_start3A_326 = tpu.memref_slice %arg2[%dma_start3A_324, %dma_start3A_325] : memref<650000x128xi32, #tpu.memory_space<hbm>> -> memref<650000x128xi32, #tpu.memory_space<hbm>>
    tpu.enqueue_indirect_dma source(%dma_start3A_326 : memref<650000x128xi32, #tpu.memory_space<hbm>>) target(%dma_start3A_321 : memref<128x128xi32, #tpu.memory_space<vmem>>) offsets(%dma_start3A_323 : memref<128xi32, #tpu.memory_space<vmem>>) semaphore(%arg7 : memref<!tpu.dma_semaphore, #tpu.memory_space<semaphore_mem>>)
    %dma_wait3A_327 = arith.constant 0 : i32
    %dma_wait3A_328 = arith.constant 0 : i32
    %dma_wait3A_329 = arith.constant 0 : i32
    %dma_wait3A_330 = tpu.memref_slice %arg6[%dma_wait3A_327, %dma_wait3A_328, %dma_wait3A_329] : memref<2x128x128xi32, #tpu.memory_space<vmem>> -> memref<1x128x128xi32, #tpu.memory_space<vmem>>
    %dma_wait3A_331 = tpu.memref_squeeze %dma_wait3A_330 : memref<1x128x128xi32, #tpu.memory_space<vmem>> -> memref<128x128xi32, #tpu.memory_space<vmem>>
    %dma_wait3A_332 = arith.constant 1792 : i32
    %dma_wait3A_333 = tpu.memref_slice %arg5[%dma_wait3A_332] : memref<3328xi32, #tpu.memory_space<vmem>> -> memref<128xi32, #tpu.memory_space<vmem>>
    %dma_wait3A_334 = arith.constant 0 : i32
    %dma_wait3A_335 = arith.constant 0 : i32
    %dma_wait3A_336 = tpu.memref_slice %arg2[%dma_wait3A_334, %dma_wait3A_335] : memref<650000x128xi32, #tpu.memory_space<hbm>> -> memref<650000x128xi32, #tpu.memory_space<hbm>>
    tpu.wait_indirect_dma semaphore(%arg7 : memref<!tpu.dma_semaphore, #tpu.memory_space<semaphore_mem>>) src(%dma_wait3A_336 : memref<650000x128xi32, #tpu.memory_space<hbm>>) dst(%dma_wait3A_331 : memref<128x128xi32, #tpu.memory_space<vmem>>)
    %dma_wait3A_337 = arith.constant 1 : i32
    %dma_wait3A_338 = arith.constant 0 : i32
    %dma_wait3A_339 = arith.constant 0 : i32
    %dma_wait3A_340 = tpu.memref_slice %arg6[%dma_wait3A_337, %dma_wait3A_338, %dma_wait3A_339] : memref<2x128x128xi32, #tpu.memory_space<vmem>> -> memref<1x128x128xi32, #tpu.memory_space<vmem>>
    %dma_wait3A_341 = tpu.memref_squeeze %dma_wait3A_340 : memref<1x128x128xi32, #tpu.memory_space<vmem>> -> memref<128x128xi32, #tpu.memory_space<vmem>>
    %dma_wait3A_342 = arith.constant 1920 : i32
    %dma_wait3A_343 = tpu.memref_slice %arg5[%dma_wait3A_342] : memref<3328xi32, #tpu.memory_space<vmem>> -> memref<128xi32, #tpu.memory_space<vmem>>
    %dma_wait3A_344 = arith.constant 0 : i32
    %dma_wait3A_345 = arith.constant 0 : i32
    %dma_wait3A_346 = tpu.memref_slice %arg2[%dma_wait3A_344, %dma_wait3A_345] : memref<650000x128xi32, #tpu.memory_space<hbm>> -> memref<650000x128xi32, #tpu.memory_space<hbm>>
    tpu.wait_indirect_dma semaphore(%arg7 : memref<!tpu.dma_semaphore, #tpu.memory_space<semaphore_mem>>) src(%dma_wait3A_346 : memref<650000x128xi32, #tpu.memory_space<hbm>>) dst(%dma_wait3A_341 : memref<128x128xi32, #tpu.memory_space<vmem>>)
    %mul3A_347 = arith.constant 26 : i32
    %mul3A_348 = arith.muli %add3A, %mul3A_347 : i32
    %add3A_349 = arith.constant 14 : i32
    %add3A_350 = arith.addi %mul3A_348, %add3A_349 : i32
    "tpu.region"() ({
      %run_scoped3A = tpu.sem_alloc : memref<!tpu.dma_semaphore, #tpu.memory_space<semaphore_mem>>
      %dma_start3A_571 = arith.constant 0 : i32
      %dma_start3A_572 = arith.constant 0 : i32
      %dma_start3A_573 = tpu.memref_slice %arg4[%add3A_350, %dma_start3A_571, %dma_start3A_572] : memref<832x128x128xi32, #tpu.memory_space<hbm>> -> memref<2x128x128xi32, #tpu.memory_space<hbm>>
      %dma_start3A_574 = arith.constant 0 : i32
      %dma_start3A_575 = arith.constant 0 : i32
      %dma_start3A_576 = tpu.memref_slice %arg4[%add3A_350, %dma_start3A_574, %dma_start3A_575] : memref<832x128x128xi32, #tpu.memory_space<hbm>> -> memref<2x128x128xi32, #tpu.memory_space<hbm>>
      tpu.enqueue_dma source(%arg6 : memref<2x128x128xi32, #tpu.memory_space<vmem>>) target(%dma_start3A_576 : memref<2x128x128xi32, #tpu.memory_space<hbm>>) target_semaphore(%run_scoped3A : memref<!tpu.dma_semaphore, #tpu.memory_space<semaphore_mem>>)
      %dma_wait3A_577 = arith.constant 0 : i32
      %dma_wait3A_578 = arith.constant 0 : i32
      %dma_wait3A_579 = tpu.memref_slice %arg4[%add3A_350, %dma_wait3A_577, %dma_wait3A_578] : memref<832x128x128xi32, #tpu.memory_space<hbm>> -> memref<2x128x128xi32, #tpu.memory_space<hbm>>
      %dma_wait3A_580 = arith.constant 0 : i32
      %dma_wait3A_581 = arith.constant 0 : i32
      %dma_wait3A_582 = tpu.memref_slice %arg4[%add3A_350, %dma_wait3A_580, %dma_wait3A_581] : memref<832x128x128xi32, #tpu.memory_space<hbm>> -> memref<2x128x128xi32, #tpu.memory_space<hbm>>
      tpu.wait_dma2 semaphore(%run_scoped3A : memref<!tpu.dma_semaphore, #tpu.memory_space<semaphore_mem>>) src(%arg6 : memref<2x128x128xi32, #tpu.memory_space<vmem>>) dst(%dma_wait3A_582 : memref<2x128x128xi32, #tpu.memory_space<hbm>>)
      tpu.yield
    }) : () -> ()
    %dma_start3A_351 = arith.constant 0 : i32
    %dma_start3A_352 = arith.constant 0 : i32
    %dma_start3A_353 = arith.constant 0 : i32
    %dma_start3A_354 = tpu.memref_slice %arg6[%dma_start3A_351, %dma_start3A_352, %dma_start3A_353] : memref<2x128x128xi32, #tpu.memory_space<vmem>> -> memref<1x128x128xi32, #tpu.memory_space<vmem>>
    %dma_start3A_355 = tpu.memref_squeeze %dma_start3A_354 : memref<1x128x128xi32, #tpu.memory_space<vmem>> -> memref<128x128xi32, #tpu.memory_space<vmem>>
    %dma_start3A_356 = arith.constant 2048 : i32
    %dma_start3A_357 = tpu.memref_slice %arg5[%dma_start3A_356] : memref<3328xi32, #tpu.memory_space<vmem>> -> memref<128xi32, #tpu.memory_space<vmem>>
    %dma_start3A_358 = arith.constant 0 : i32
    %dma_start3A_359 = arith.constant 0 : i32
    %dma_start3A_360 = tpu.memref_slice %arg2[%dma_start3A_358, %dma_start3A_359] : memref<650000x128xi32, #tpu.memory_space<hbm>> -> memref<650000x128xi32, #tpu.memory_space<hbm>>
    tpu.enqueue_indirect_dma source(%dma_start3A_360 : memref<650000x128xi32, #tpu.memory_space<hbm>>) target(%dma_start3A_355 : memref<128x128xi32, #tpu.memory_space<vmem>>) offsets(%dma_start3A_357 : memref<128xi32, #tpu.memory_space<vmem>>) semaphore(%arg7 : memref<!tpu.dma_semaphore, #tpu.memory_space<semaphore_mem>>)
    %dma_start3A_361 = arith.constant 1 : i32
    %dma_start3A_362 = arith.constant 0 : i32
    %dma_start3A_363 = arith.constant 0 : i32
    %dma_start3A_364 = tpu.memref_slice %arg6[%dma_start3A_361, %dma_start3A_362, %dma_start3A_363] : memref<2x128x128xi32, #tpu.memory_space<vmem>> -> memref<1x128x128xi32, #tpu.memory_space<vmem>>
    %dma_start3A_365 = tpu.memref_squeeze %dma_start3A_364 : memref<1x128x128xi32, #tpu.memory_space<vmem>> -> memref<128x128xi32, #tpu.memory_space<vmem>>
    %dma_start3A_366 = arith.constant 2176 : i32
    %dma_start3A_367 = tpu.memref_slice %arg5[%dma_start3A_366] : memref<3328xi32, #tpu.memory_space<vmem>> -> memref<128xi32, #tpu.memory_space<vmem>>
    %dma_start3A_368 = arith.constant 0 : i32
    %dma_start3A_369 = arith.constant 0 : i32
    %dma_start3A_370 = tpu.memref_slice %arg2[%dma_start3A_368, %dma_start3A_369] : memref<650000x128xi32, #tpu.memory_space<hbm>> -> memref<650000x128xi32, #tpu.memory_space<hbm>>
    tpu.enqueue_indirect_dma source(%dma_start3A_370 : memref<650000x128xi32, #tpu.memory_space<hbm>>) target(%dma_start3A_365 : memref<128x128xi32, #tpu.memory_space<vmem>>) offsets(%dma_start3A_367 : memref<128xi32, #tpu.memory_space<vmem>>) semaphore(%arg7 : memref<!tpu.dma_semaphore, #tpu.memory_space<semaphore_mem>>)
    %dma_wait3A_371 = arith.constant 0 : i32
    %dma_wait3A_372 = arith.constant 0 : i32
    %dma_wait3A_373 = arith.constant 0 : i32
    %dma_wait3A_374 = tpu.memref_slice %arg6[%dma_wait3A_371, %dma_wait3A_372, %dma_wait3A_373] : memref<2x128x128xi32, #tpu.memory_space<vmem>> -> memref<1x128x128xi32, #tpu.memory_space<vmem>>
    %dma_wait3A_375 = tpu.memref_squeeze %dma_wait3A_374 : memref<1x128x128xi32, #tpu.memory_space<vmem>> -> memref<128x128xi32, #tpu.memory_space<vmem>>
    %dma_wait3A_376 = arith.constant 2048 : i32
    %dma_wait3A_377 = tpu.memref_slice %arg5[%dma_wait3A_376] : memref<3328xi32, #tpu.memory_space<vmem>> -> memref<128xi32, #tpu.memory_space<vmem>>
    %dma_wait3A_378 = arith.constant 0 : i32
    %dma_wait3A_379 = arith.constant 0 : i32
    %dma_wait3A_380 = tpu.memref_slice %arg2[%dma_wait3A_378, %dma_wait3A_379] : memref<650000x128xi32, #tpu.memory_space<hbm>> -> memref<650000x128xi32, #tpu.memory_space<hbm>>
    tpu.wait_indirect_dma semaphore(%arg7 : memref<!tpu.dma_semaphore, #tpu.memory_space<semaphore_mem>>) src(%dma_wait3A_380 : memref<650000x128xi32, #tpu.memory_space<hbm>>) dst(%dma_wait3A_375 : memref<128x128xi32, #tpu.memory_space<vmem>>)
    %dma_wait3A_381 = arith.constant 1 : i32
    %dma_wait3A_382 = arith.constant 0 : i32
    %dma_wait3A_383 = arith.constant 0 : i32
    %dma_wait3A_384 = tpu.memref_slice %arg6[%dma_wait3A_381, %dma_wait3A_382, %dma_wait3A_383] : memref<2x128x128xi32, #tpu.memory_space<vmem>> -> memref<1x128x128xi32, #tpu.memory_space<vmem>>
    %dma_wait3A_385 = tpu.memref_squeeze %dma_wait3A_384 : memref<1x128x128xi32, #tpu.memory_space<vmem>> -> memref<128x128xi32, #tpu.memory_space<vmem>>
    %dma_wait3A_386 = arith.constant 2176 : i32
    %dma_wait3A_387 = tpu.memref_slice %arg5[%dma_wait3A_386] : memref<3328xi32, #tpu.memory_space<vmem>> -> memref<128xi32, #tpu.memory_space<vmem>>
    %dma_wait3A_388 = arith.constant 0 : i32
    %dma_wait3A_389 = arith.constant 0 : i32
    %dma_wait3A_390 = tpu.memref_slice %arg2[%dma_wait3A_388, %dma_wait3A_389] : memref<650000x128xi32, #tpu.memory_space<hbm>> -> memref<650000x128xi32, #tpu.memory_space<hbm>>
    tpu.wait_indirect_dma semaphore(%arg7 : memref<!tpu.dma_semaphore, #tpu.memory_space<semaphore_mem>>) src(%dma_wait3A_390 : memref<650000x128xi32, #tpu.memory_space<hbm>>) dst(%dma_wait3A_385 : memref<128x128xi32, #tpu.memory_space<vmem>>)
    %mul3A_391 = arith.constant 26 : i32
    %mul3A_392 = arith.muli %add3A, %mul3A_391 : i32
    %add3A_393 = arith.constant 16 : i32
    %add3A_394 = arith.addi %mul3A_392, %add3A_393 : i32
    "tpu.region"() ({
      %run_scoped3A = tpu.sem_alloc : memref<!tpu.dma_semaphore, #tpu.memory_space<semaphore_mem>>
      %dma_start3A_571 = arith.constant 0 : i32
      %dma_start3A_572 = arith.constant 0 : i32
      %dma_start3A_573 = tpu.memref_slice %arg4[%add3A_394, %dma_start3A_571, %dma_start3A_572] : memref<832x128x128xi32, #tpu.memory_space<hbm>> -> memref<2x128x128xi32, #tpu.memory_space<hbm>>
      %dma_start3A_574 = arith.constant 0 : i32
      %dma_start3A_575 = arith.constant 0 : i32
      %dma_start3A_576 = tpu.memref_slice %arg4[%add3A_394, %dma_start3A_574, %dma_start3A_575] : memref<832x128x128xi32, #tpu.memory_space<hbm>> -> memref<2x128x128xi32, #tpu.memory_space<hbm>>
      tpu.enqueue_dma source(%arg6 : memref<2x128x128xi32, #tpu.memory_space<vmem>>) target(%dma_start3A_576 : memref<2x128x128xi32, #tpu.memory_space<hbm>>) target_semaphore(%run_scoped3A : memref<!tpu.dma_semaphore, #tpu.memory_space<semaphore_mem>>)
      %dma_wait3A_577 = arith.constant 0 : i32
      %dma_wait3A_578 = arith.constant 0 : i32
      %dma_wait3A_579 = tpu.memref_slice %arg4[%add3A_394, %dma_wait3A_577, %dma_wait3A_578] : memref<832x128x128xi32, #tpu.memory_space<hbm>> -> memref<2x128x128xi32, #tpu.memory_space<hbm>>
      %dma_wait3A_580 = arith.constant 0 : i32
      %dma_wait3A_581 = arith.constant 0 : i32
      %dma_wait3A_582 = tpu.memref_slice %arg4[%add3A_394, %dma_wait3A_580, %dma_wait3A_581] : memref<832x128x128xi32, #tpu.memory_space<hbm>> -> memref<2x128x128xi32, #tpu.memory_space<hbm>>
      tpu.wait_dma2 semaphore(%run_scoped3A : memref<!tpu.dma_semaphore, #tpu.memory_space<semaphore_mem>>) src(%arg6 : memref<2x128x128xi32, #tpu.memory_space<vmem>>) dst(%dma_wait3A_582 : memref<2x128x128xi32, #tpu.memory_space<hbm>>)
      tpu.yield
    }) : () -> ()
    %dma_start3A_395 = arith.constant 0 : i32
    %dma_start3A_396 = arith.constant 0 : i32
    %dma_start3A_397 = arith.constant 0 : i32
    %dma_start3A_398 = tpu.memref_slice %arg6[%dma_start3A_395, %dma_start3A_396, %dma_start3A_397] : memref<2x128x128xi32, #tpu.memory_space<vmem>> -> memref<1x128x128xi32, #tpu.memory_space<vmem>>
    %dma_start3A_399 = tpu.memref_squeeze %dma_start3A_398 : memref<1x128x128xi32, #tpu.memory_space<vmem>> -> memref<128x128xi32, #tpu.memory_space<vmem>>
    %dma_start3A_400 = arith.constant 2304 : i32
    %dma_start3A_401 = tpu.memref_slice %arg5[%dma_start3A_400] : memref<3328xi32, #tpu.memory_space<vmem>> -> memref<128xi32, #tpu.memory_space<vmem>>
    %dma_start3A_402 = arith.constant 0 : i32
    %dma_start3A_403 = arith.constant 0 : i32
    %dma_start3A_404 = tpu.memref_slice %arg2[%dma_start3A_402, %dma_start3A_403] : memref<650000x128xi32, #tpu.memory_space<hbm>> -> memref<650000x128xi32, #tpu.memory_space<hbm>>
    tpu.enqueue_indirect_dma source(%dma_start3A_404 : memref<650000x128xi32, #tpu.memory_space<hbm>>) target(%dma_start3A_399 : memref<128x128xi32, #tpu.memory_space<vmem>>) offsets(%dma_start3A_401 : memref<128xi32, #tpu.memory_space<vmem>>) semaphore(%arg7 : memref<!tpu.dma_semaphore, #tpu.memory_space<semaphore_mem>>)
    %dma_start3A_405 = arith.constant 1 : i32
    %dma_start3A_406 = arith.constant 0 : i32
    %dma_start3A_407 = arith.constant 0 : i32
    %dma_start3A_408 = tpu.memref_slice %arg6[%dma_start3A_405, %dma_start3A_406, %dma_start3A_407] : memref<2x128x128xi32, #tpu.memory_space<vmem>> -> memref<1x128x128xi32, #tpu.memory_space<vmem>>
    %dma_start3A_409 = tpu.memref_squeeze %dma_start3A_408 : memref<1x128x128xi32, #tpu.memory_space<vmem>> -> memref<128x128xi32, #tpu.memory_space<vmem>>
    %dma_start3A_410 = arith.constant 2432 : i32
    %dma_start3A_411 = tpu.memref_slice %arg5[%dma_start3A_410] : memref<3328xi32, #tpu.memory_space<vmem>> -> memref<128xi32, #tpu.memory_space<vmem>>
    %dma_start3A_412 = arith.constant 0 : i32
    %dma_start3A_413 = arith.constant 0 : i32
    %dma_start3A_414 = tpu.memref_slice %arg2[%dma_start3A_412, %dma_start3A_413] : memref<650000x128xi32, #tpu.memory_space<hbm>> -> memref<650000x128xi32, #tpu.memory_space<hbm>>
    tpu.enqueue_indirect_dma source(%dma_start3A_414 : memref<650000x128xi32, #tpu.memory_space<hbm>>) target(%dma_start3A_409 : memref<128x128xi32, #tpu.memory_space<vmem>>) offsets(%dma_start3A_411 : memref<128xi32, #tpu.memory_space<vmem>>) semaphore(%arg7 : memref<!tpu.dma_semaphore, #tpu.memory_space<semaphore_mem>>)
    %dma_wait3A_415 = arith.constant 0 : i32
    %dma_wait3A_416 = arith.constant 0 : i32
    %dma_wait3A_417 = arith.constant 0 : i32
    %dma_wait3A_418 = tpu.memref_slice %arg6[%dma_wait3A_415, %dma_wait3A_416, %dma_wait3A_417] : memref<2x128x128xi32, #tpu.memory_space<vmem>> -> memref<1x128x128xi32, #tpu.memory_space<vmem>>
    %dma_wait3A_419 = tpu.memref_squeeze %dma_wait3A_418 : memref<1x128x128xi32, #tpu.memory_space<vmem>> -> memref<128x128xi32, #tpu.memory_space<vmem>>
    %dma_wait3A_420 = arith.constant 2304 : i32
    %dma_wait3A_421 = tpu.memref_slice %arg5[%dma_wait3A_420] : memref<3328xi32, #tpu.memory_space<vmem>> -> memref<128xi32, #tpu.memory_space<vmem>>
    %dma_wait3A_422 = arith.constant 0 : i32
    %dma_wait3A_423 = arith.constant 0 : i32
    %dma_wait3A_424 = tpu.memref_slice %arg2[%dma_wait3A_422, %dma_wait3A_423] : memref<650000x128xi32, #tpu.memory_space<hbm>> -> memref<650000x128xi32, #tpu.memory_space<hbm>>
    tpu.wait_indirect_dma semaphore(%arg7 : memref<!tpu.dma_semaphore, #tpu.memory_space<semaphore_mem>>) src(%dma_wait3A_424 : memref<650000x128xi32, #tpu.memory_space<hbm>>) dst(%dma_wait3A_419 : memref<128x128xi32, #tpu.memory_space<vmem>>)
    %dma_wait3A_425 = arith.constant 1 : i32
    %dma_wait3A_426 = arith.constant 0 : i32
    %dma_wait3A_427 = arith.constant 0 : i32
    %dma_wait3A_428 = tpu.memref_slice %arg6[%dma_wait3A_425, %dma_wait3A_426, %dma_wait3A_427] : memref<2x128x128xi32, #tpu.memory_space<vmem>> -> memref<1x128x128xi32, #tpu.memory_space<vmem>>
    %dma_wait3A_429 = tpu.memref_squeeze %dma_wait3A_428 : memref<1x128x128xi32, #tpu.memory_space<vmem>> -> memref<128x128xi32, #tpu.memory_space<vmem>>
    %dma_wait3A_430 = arith.constant 2432 : i32
    %dma_wait3A_431 = tpu.memref_slice %arg5[%dma_wait3A_430] : memref<3328xi32, #tpu.memory_space<vmem>> -> memref<128xi32, #tpu.memory_space<vmem>>
    %dma_wait3A_432 = arith.constant 0 : i32
    %dma_wait3A_433 = arith.constant 0 : i32
    %dma_wait3A_434 = tpu.memref_slice %arg2[%dma_wait3A_432, %dma_wait3A_433] : memref<650000x128xi32, #tpu.memory_space<hbm>> -> memref<650000x128xi32, #tpu.memory_space<hbm>>
    tpu.wait_indirect_dma semaphore(%arg7 : memref<!tpu.dma_semaphore, #tpu.memory_space<semaphore_mem>>) src(%dma_wait3A_434 : memref<650000x128xi32, #tpu.memory_space<hbm>>) dst(%dma_wait3A_429 : memref<128x128xi32, #tpu.memory_space<vmem>>)
    %mul3A_435 = arith.constant 26 : i32
    %mul3A_436 = arith.muli %add3A, %mul3A_435 : i32
    %add3A_437 = arith.constant 18 : i32
    %add3A_438 = arith.addi %mul3A_436, %add3A_437 : i32
    "tpu.region"() ({
      %run_scoped3A = tpu.sem_alloc : memref<!tpu.dma_semaphore, #tpu.memory_space<semaphore_mem>>
      %dma_start3A_571 = arith.constant 0 : i32
      %dma_start3A_572 = arith.constant 0 : i32
      %dma_start3A_573 = tpu.memref_slice %arg4[%add3A_438, %dma_start3A_571, %dma_start3A_572] : memref<832x128x128xi32, #tpu.memory_space<hbm>> -> memref<2x128x128xi32, #tpu.memory_space<hbm>>
      %dma_start3A_574 = arith.constant 0 : i32
      %dma_start3A_575 = arith.constant 0 : i32
      %dma_start3A_576 = tpu.memref_slice %arg4[%add3A_438, %dma_start3A_574, %dma_start3A_575] : memref<832x128x128xi32, #tpu.memory_space<hbm>> -> memref<2x128x128xi32, #tpu.memory_space<hbm>>
      tpu.enqueue_dma source(%arg6 : memref<2x128x128xi32, #tpu.memory_space<vmem>>) target(%dma_start3A_576 : memref<2x128x128xi32, #tpu.memory_space<hbm>>) target_semaphore(%run_scoped3A : memref<!tpu.dma_semaphore, #tpu.memory_space<semaphore_mem>>)
      %dma_wait3A_577 = arith.constant 0 : i32
      %dma_wait3A_578 = arith.constant 0 : i32
      %dma_wait3A_579 = tpu.memref_slice %arg4[%add3A_438, %dma_wait3A_577, %dma_wait3A_578] : memref<832x128x128xi32, #tpu.memory_space<hbm>> -> memref<2x128x128xi32, #tpu.memory_space<hbm>>
      %dma_wait3A_580 = arith.constant 0 : i32
      %dma_wait3A_581 = arith.constant 0 : i32
      %dma_wait3A_582 = tpu.memref_slice %arg4[%add3A_438, %dma_wait3A_580, %dma_wait3A_581] : memref<832x128x128xi32, #tpu.memory_space<hbm>> -> memref<2x128x128xi32, #tpu.memory_space<hbm>>
      tpu.wait_dma2 semaphore(%run_scoped3A : memref<!tpu.dma_semaphore, #tpu.memory_space<semaphore_mem>>) src(%arg6 : memref<2x128x128xi32, #tpu.memory_space<vmem>>) dst(%dma_wait3A_582 : memref<2x128x128xi32, #tpu.memory_space<hbm>>)
      tpu.yield
    }) : () -> ()
    %dma_start3A_439 = arith.constant 0 : i32
    %dma_start3A_440 = arith.constant 0 : i32
    %dma_start3A_441 = arith.constant 0 : i32
    %dma_start3A_442 = tpu.memref_slice %arg6[%dma_start3A_439, %dma_start3A_440, %dma_start3A_441] : memref<2x128x128xi32, #tpu.memory_space<vmem>> -> memref<1x128x128xi32, #tpu.memory_space<vmem>>
    %dma_start3A_443 = tpu.memref_squeeze %dma_start3A_442 : memref<1x128x128xi32, #tpu.memory_space<vmem>> -> memref<128x128xi32, #tpu.memory_space<vmem>>
    %dma_start3A_444 = arith.constant 2560 : i32
    %dma_start3A_445 = tpu.memref_slice %arg5[%dma_start3A_444] : memref<3328xi32, #tpu.memory_space<vmem>> -> memref<128xi32, #tpu.memory_space<vmem>>
    %dma_start3A_446 = arith.constant 0 : i32
    %dma_start3A_447 = arith.constant 0 : i32
    %dma_start3A_448 = tpu.memref_slice %arg2[%dma_start3A_446, %dma_start3A_447] : memref<650000x128xi32, #tpu.memory_space<hbm>> -> memref<650000x128xi32, #tpu.memory_space<hbm>>
    tpu.enqueue_indirect_dma source(%dma_start3A_448 : memref<650000x128xi32, #tpu.memory_space<hbm>>) target(%dma_start3A_443 : memref<128x128xi32, #tpu.memory_space<vmem>>) offsets(%dma_start3A_445 : memref<128xi32, #tpu.memory_space<vmem>>) semaphore(%arg7 : memref<!tpu.dma_semaphore, #tpu.memory_space<semaphore_mem>>)
    %dma_start3A_449 = arith.constant 1 : i32
    %dma_start3A_450 = arith.constant 0 : i32
    %dma_start3A_451 = arith.constant 0 : i32
    %dma_start3A_452 = tpu.memref_slice %arg6[%dma_start3A_449, %dma_start3A_450, %dma_start3A_451] : memref<2x128x128xi32, #tpu.memory_space<vmem>> -> memref<1x128x128xi32, #tpu.memory_space<vmem>>
    %dma_start3A_453 = tpu.memref_squeeze %dma_start3A_452 : memref<1x128x128xi32, #tpu.memory_space<vmem>> -> memref<128x128xi32, #tpu.memory_space<vmem>>
    %dma_start3A_454 = arith.constant 2688 : i32
    %dma_start3A_455 = tpu.memref_slice %arg5[%dma_start3A_454] : memref<3328xi32, #tpu.memory_space<vmem>> -> memref<128xi32, #tpu.memory_space<vmem>>
    %dma_start3A_456 = arith.constant 0 : i32
    %dma_start3A_457 = arith.constant 0 : i32
    %dma_start3A_458 = tpu.memref_slice %arg2[%dma_start3A_456, %dma_start3A_457] : memref<650000x128xi32, #tpu.memory_space<hbm>> -> memref<650000x128xi32, #tpu.memory_space<hbm>>
    tpu.enqueue_indirect_dma source(%dma_start3A_458 : memref<650000x128xi32, #tpu.memory_space<hbm>>) target(%dma_start3A_453 : memref<128x128xi32, #tpu.memory_space<vmem>>) offsets(%dma_start3A_455 : memref<128xi32, #tpu.memory_space<vmem>>) semaphore(%arg7 : memref<!tpu.dma_semaphore, #tpu.memory_space<semaphore_mem>>)
    %dma_wait3A_459 = arith.constant 0 : i32
    %dma_wait3A_460 = arith.constant 0 : i32
    %dma_wait3A_461 = arith.constant 0 : i32
    %dma_wait3A_462 = tpu.memref_slice %arg6[%dma_wait3A_459, %dma_wait3A_460, %dma_wait3A_461] : memref<2x128x128xi32, #tpu.memory_space<vmem>> -> memref<1x128x128xi32, #tpu.memory_space<vmem>>
    %dma_wait3A_463 = tpu.memref_squeeze %dma_wait3A_462 : memref<1x128x128xi32, #tpu.memory_space<vmem>> -> memref<128x128xi32, #tpu.memory_space<vmem>>
    %dma_wait3A_464 = arith.constant 2560 : i32
    %dma_wait3A_465 = tpu.memref_slice %arg5[%dma_wait3A_464] : memref<3328xi32, #tpu.memory_space<vmem>> -> memref<128xi32, #tpu.memory_space<vmem>>
    %dma_wait3A_466 = arith.constant 0 : i32
    %dma_wait3A_467 = arith.constant 0 : i32
    %dma_wait3A_468 = tpu.memref_slice %arg2[%dma_wait3A_466, %dma_wait3A_467] : memref<650000x128xi32, #tpu.memory_space<hbm>> -> memref<650000x128xi32, #tpu.memory_space<hbm>>
    tpu.wait_indirect_dma semaphore(%arg7 : memref<!tpu.dma_semaphore, #tpu.memory_space<semaphore_mem>>) src(%dma_wait3A_468 : memref<650000x128xi32, #tpu.memory_space<hbm>>) dst(%dma_wait3A_463 : memref<128x128xi32, #tpu.memory_space<vmem>>)
    %dma_wait3A_469 = arith.constant 1 : i32
    %dma_wait3A_470 = arith.constant 0 : i32
    %dma_wait3A_471 = arith.constant 0 : i32
    %dma_wait3A_472 = tpu.memref_slice %arg6[%dma_wait3A_469, %dma_wait3A_470, %dma_wait3A_471] : memref<2x128x128xi32, #tpu.memory_space<vmem>> -> memref<1x128x128xi32, #tpu.memory_space<vmem>>
    %dma_wait3A_473 = tpu.memref_squeeze %dma_wait3A_472 : memref<1x128x128xi32, #tpu.memory_space<vmem>> -> memref<128x128xi32, #tpu.memory_space<vmem>>
    %dma_wait3A_474 = arith.constant 2688 : i32
    %dma_wait3A_475 = tpu.memref_slice %arg5[%dma_wait3A_474] : memref<3328xi32, #tpu.memory_space<vmem>> -> memref<128xi32, #tpu.memory_space<vmem>>
    %dma_wait3A_476 = arith.constant 0 : i32
    %dma_wait3A_477 = arith.constant 0 : i32
    %dma_wait3A_478 = tpu.memref_slice %arg2[%dma_wait3A_476, %dma_wait3A_477] : memref<650000x128xi32, #tpu.memory_space<hbm>> -> memref<650000x128xi32, #tpu.memory_space<hbm>>
    tpu.wait_indirect_dma semaphore(%arg7 : memref<!tpu.dma_semaphore, #tpu.memory_space<semaphore_mem>>) src(%dma_wait3A_478 : memref<650000x128xi32, #tpu.memory_space<hbm>>) dst(%dma_wait3A_473 : memref<128x128xi32, #tpu.memory_space<vmem>>)
    %mul3A_479 = arith.constant 26 : i32
    %mul3A_480 = arith.muli %add3A, %mul3A_479 : i32
    %add3A_481 = arith.constant 20 : i32
    %add3A_482 = arith.addi %mul3A_480, %add3A_481 : i32
    "tpu.region"() ({
      %run_scoped3A = tpu.sem_alloc : memref<!tpu.dma_semaphore, #tpu.memory_space<semaphore_mem>>
      %dma_start3A_571 = arith.constant 0 : i32
      %dma_start3A_572 = arith.constant 0 : i32
      %dma_start3A_573 = tpu.memref_slice %arg4[%add3A_482, %dma_start3A_571, %dma_start3A_572] : memref<832x128x128xi32, #tpu.memory_space<hbm>> -> memref<2x128x128xi32, #tpu.memory_space<hbm>>
      %dma_start3A_574 = arith.constant 0 : i32
      %dma_start3A_575 = arith.constant 0 : i32
      %dma_start3A_576 = tpu.memref_slice %arg4[%add3A_482, %dma_start3A_574, %dma_start3A_575] : memref<832x128x128xi32, #tpu.memory_space<hbm>> -> memref<2x128x128xi32, #tpu.memory_space<hbm>>
      tpu.enqueue_dma source(%arg6 : memref<2x128x128xi32, #tpu.memory_space<vmem>>) target(%dma_start3A_576 : memref<2x128x128xi32, #tpu.memory_space<hbm>>) target_semaphore(%run_scoped3A : memref<!tpu.dma_semaphore, #tpu.memory_space<semaphore_mem>>)
      %dma_wait3A_577 = arith.constant 0 : i32
      %dma_wait3A_578 = arith.constant 0 : i32
      %dma_wait3A_579 = tpu.memref_slice %arg4[%add3A_482, %dma_wait3A_577, %dma_wait3A_578] : memref<832x128x128xi32, #tpu.memory_space<hbm>> -> memref<2x128x128xi32, #tpu.memory_space<hbm>>
      %dma_wait3A_580 = arith.constant 0 : i32
      %dma_wait3A_581 = arith.constant 0 : i32
      %dma_wait3A_582 = tpu.memref_slice %arg4[%add3A_482, %dma_wait3A_580, %dma_wait3A_581] : memref<832x128x128xi32, #tpu.memory_space<hbm>> -> memref<2x128x128xi32, #tpu.memory_space<hbm>>
      tpu.wait_dma2 semaphore(%run_scoped3A : memref<!tpu.dma_semaphore, #tpu.memory_space<semaphore_mem>>) src(%arg6 : memref<2x128x128xi32, #tpu.memory_space<vmem>>) dst(%dma_wait3A_582 : memref<2x128x128xi32, #tpu.memory_space<hbm>>)
      tpu.yield
    }) : () -> ()
    %dma_start3A_483 = arith.constant 0 : i32
    %dma_start3A_484 = arith.constant 0 : i32
    %dma_start3A_485 = arith.constant 0 : i32
    %dma_start3A_486 = tpu.memref_slice %arg6[%dma_start3A_483, %dma_start3A_484, %dma_start3A_485] : memref<2x128x128xi32, #tpu.memory_space<vmem>> -> memref<1x128x128xi32, #tpu.memory_space<vmem>>
    %dma_start3A_487 = tpu.memref_squeeze %dma_start3A_486 : memref<1x128x128xi32, #tpu.memory_space<vmem>> -> memref<128x128xi32, #tpu.memory_space<vmem>>
    %dma_start3A_488 = arith.constant 2816 : i32
    %dma_start3A_489 = tpu.memref_slice %arg5[%dma_start3A_488] : memref<3328xi32, #tpu.memory_space<vmem>> -> memref<128xi32, #tpu.memory_space<vmem>>
    %dma_start3A_490 = arith.constant 0 : i32
    %dma_start3A_491 = arith.constant 0 : i32
    %dma_start3A_492 = tpu.memref_slice %arg2[%dma_start3A_490, %dma_start3A_491] : memref<650000x128xi32, #tpu.memory_space<hbm>> -> memref<650000x128xi32, #tpu.memory_space<hbm>>
    tpu.enqueue_indirect_dma source(%dma_start3A_492 : memref<650000x128xi32, #tpu.memory_space<hbm>>) target(%dma_start3A_487 : memref<128x128xi32, #tpu.memory_space<vmem>>) offsets(%dma_start3A_489 : memref<128xi32, #tpu.memory_space<vmem>>) semaphore(%arg7 : memref<!tpu.dma_semaphore, #tpu.memory_space<semaphore_mem>>)
    %dma_start3A_493 = arith.constant 1 : i32
    %dma_start3A_494 = arith.constant 0 : i32
    %dma_start3A_495 = arith.constant 0 : i32
    %dma_start3A_496 = tpu.memref_slice %arg6[%dma_start3A_493, %dma_start3A_494, %dma_start3A_495] : memref<2x128x128xi32, #tpu.memory_space<vmem>> -> memref<1x128x128xi32, #tpu.memory_space<vmem>>
    %dma_start3A_497 = tpu.memref_squeeze %dma_start3A_496 : memref<1x128x128xi32, #tpu.memory_space<vmem>> -> memref<128x128xi32, #tpu.memory_space<vmem>>
    %dma_start3A_498 = arith.constant 2944 : i32
    %dma_start3A_499 = tpu.memref_slice %arg5[%dma_start3A_498] : memref<3328xi32, #tpu.memory_space<vmem>> -> memref<128xi32, #tpu.memory_space<vmem>>
    %dma_start3A_500 = arith.constant 0 : i32
    %dma_start3A_501 = arith.constant 0 : i32
    %dma_start3A_502 = tpu.memref_slice %arg2[%dma_start3A_500, %dma_start3A_501] : memref<650000x128xi32, #tpu.memory_space<hbm>> -> memref<650000x128xi32, #tpu.memory_space<hbm>>
    tpu.enqueue_indirect_dma source(%dma_start3A_502 : memref<650000x128xi32, #tpu.memory_space<hbm>>) target(%dma_start3A_497 : memref<128x128xi32, #tpu.memory_space<vmem>>) offsets(%dma_start3A_499 : memref<128xi32, #tpu.memory_space<vmem>>) semaphore(%arg7 : memref<!tpu.dma_semaphore, #tpu.memory_space<semaphore_mem>>)
    %dma_wait3A_503 = arith.constant 0 : i32
    %dma_wait3A_504 = arith.constant 0 : i32
    %dma_wait3A_505 = arith.constant 0 : i32
    %dma_wait3A_506 = tpu.memref_slice %arg6[%dma_wait3A_503, %dma_wait3A_504, %dma_wait3A_505] : memref<2x128x128xi32, #tpu.memory_space<vmem>> -> memref<1x128x128xi32, #tpu.memory_space<vmem>>
    %dma_wait3A_507 = tpu.memref_squeeze %dma_wait3A_506 : memref<1x128x128xi32, #tpu.memory_space<vmem>> -> memref<128x128xi32, #tpu.memory_space<vmem>>
    %dma_wait3A_508 = arith.constant 2816 : i32
    %dma_wait3A_509 = tpu.memref_slice %arg5[%dma_wait3A_508] : memref<3328xi32, #tpu.memory_space<vmem>> -> memref<128xi32, #tpu.memory_space<vmem>>
    %dma_wait3A_510 = arith.constant 0 : i32
    %dma_wait3A_511 = arith.constant 0 : i32
    %dma_wait3A_512 = tpu.memref_slice %arg2[%dma_wait3A_510, %dma_wait3A_511] : memref<650000x128xi32, #tpu.memory_space<hbm>> -> memref<650000x128xi32, #tpu.memory_space<hbm>>
    tpu.wait_indirect_dma semaphore(%arg7 : memref<!tpu.dma_semaphore, #tpu.memory_space<semaphore_mem>>) src(%dma_wait3A_512 : memref<650000x128xi32, #tpu.memory_space<hbm>>) dst(%dma_wait3A_507 : memref<128x128xi32, #tpu.memory_space<vmem>>)
    %dma_wait3A_513 = arith.constant 1 : i32
    %dma_wait3A_514 = arith.constant 0 : i32
    %dma_wait3A_515 = arith.constant 0 : i32
    %dma_wait3A_516 = tpu.memref_slice %arg6[%dma_wait3A_513, %dma_wait3A_514, %dma_wait3A_515] : memref<2x128x128xi32, #tpu.memory_space<vmem>> -> memref<1x128x128xi32, #tpu.memory_space<vmem>>
    %dma_wait3A_517 = tpu.memref_squeeze %dma_wait3A_516 : memref<1x128x128xi32, #tpu.memory_space<vmem>> -> memref<128x128xi32, #tpu.memory_space<vmem>>
    %dma_wait3A_518 = arith.constant 2944 : i32
    %dma_wait3A_519 = tpu.memref_slice %arg5[%dma_wait3A_518] : memref<3328xi32, #tpu.memory_space<vmem>> -> memref<128xi32, #tpu.memory_space<vmem>>
    %dma_wait3A_520 = arith.constant 0 : i32
    %dma_wait3A_521 = arith.constant 0 : i32
    %dma_wait3A_522 = tpu.memref_slice %arg2[%dma_wait3A_520, %dma_wait3A_521] : memref<650000x128xi32, #tpu.memory_space<hbm>> -> memref<650000x128xi32, #tpu.memory_space<hbm>>
    tpu.wait_indirect_dma semaphore(%arg7 : memref<!tpu.dma_semaphore, #tpu.memory_space<semaphore_mem>>) src(%dma_wait3A_522 : memref<650000x128xi32, #tpu.memory_space<hbm>>) dst(%dma_wait3A_517 : memref<128x128xi32, #tpu.memory_space<vmem>>)
    %mul3A_523 = arith.constant 26 : i32
    %mul3A_524 = arith.muli %add3A, %mul3A_523 : i32
    %add3A_525 = arith.constant 22 : i32
    %add3A_526 = arith.addi %mul3A_524, %add3A_525 : i32
    "tpu.region"() ({
      %run_scoped3A = tpu.sem_alloc : memref<!tpu.dma_semaphore, #tpu.memory_space<semaphore_mem>>
      %dma_start3A_571 = arith.constant 0 : i32
      %dma_start3A_572 = arith.constant 0 : i32
      %dma_start3A_573 = tpu.memref_slice %arg4[%add3A_526, %dma_start3A_571, %dma_start3A_572] : memref<832x128x128xi32, #tpu.memory_space<hbm>> -> memref<2x128x128xi32, #tpu.memory_space<hbm>>
      %dma_start3A_574 = arith.constant 0 : i32
      %dma_start3A_575 = arith.constant 0 : i32
      %dma_start3A_576 = tpu.memref_slice %arg4[%add3A_526, %dma_start3A_574, %dma_start3A_575] : memref<832x128x128xi32, #tpu.memory_space<hbm>> -> memref<2x128x128xi32, #tpu.memory_space<hbm>>
      tpu.enqueue_dma source(%arg6 : memref<2x128x128xi32, #tpu.memory_space<vmem>>) target(%dma_start3A_576 : memref<2x128x128xi32, #tpu.memory_space<hbm>>) target_semaphore(%run_scoped3A : memref<!tpu.dma_semaphore, #tpu.memory_space<semaphore_mem>>)
      %dma_wait3A_577 = arith.constant 0 : i32
      %dma_wait3A_578 = arith.constant 0 : i32
      %dma_wait3A_579 = tpu.memref_slice %arg4[%add3A_526, %dma_wait3A_577, %dma_wait3A_578] : memref<832x128x128xi32, #tpu.memory_space<hbm>> -> memref<2x128x128xi32, #tpu.memory_space<hbm>>
      %dma_wait3A_580 = arith.constant 0 : i32
      %dma_wait3A_581 = arith.constant 0 : i32
      %dma_wait3A_582 = tpu.memref_slice %arg4[%add3A_526, %dma_wait3A_580, %dma_wait3A_581] : memref<832x128x128xi32, #tpu.memory_space<hbm>> -> memref<2x128x128xi32, #tpu.memory_space<hbm>>
      tpu.wait_dma2 semaphore(%run_scoped3A : memref<!tpu.dma_semaphore, #tpu.memory_space<semaphore_mem>>) src(%arg6 : memref<2x128x128xi32, #tpu.memory_space<vmem>>) dst(%dma_wait3A_582 : memref<2x128x128xi32, #tpu.memory_space<hbm>>)
      tpu.yield
    }) : () -> ()
    %dma_start3A_527 = arith.constant 0 : i32
    %dma_start3A_528 = arith.constant 0 : i32
    %dma_start3A_529 = arith.constant 0 : i32
    %dma_start3A_530 = tpu.memref_slice %arg6[%dma_start3A_527, %dma_start3A_528, %dma_start3A_529] : memref<2x128x128xi32, #tpu.memory_space<vmem>> -> memref<1x128x128xi32, #tpu.memory_space<vmem>>
    %dma_start3A_531 = tpu.memref_squeeze %dma_start3A_530 : memref<1x128x128xi32, #tpu.memory_space<vmem>> -> memref<128x128xi32, #tpu.memory_space<vmem>>
    %dma_start3A_532 = arith.constant 3072 : i32
    %dma_start3A_533 = tpu.memref_slice %arg5[%dma_start3A_532] : memref<3328xi32, #tpu.memory_space<vmem>> -> memref<128xi32, #tpu.memory_space<vmem>>
    %dma_start3A_534 = arith.constant 0 : i32
    %dma_start3A_535 = arith.constant 0 : i32
    %dma_start3A_536 = tpu.memref_slice %arg2[%dma_start3A_534, %dma_start3A_535] : memref<650000x128xi32, #tpu.memory_space<hbm>> -> memref<650000x128xi32, #tpu.memory_space<hbm>>
    tpu.enqueue_indirect_dma source(%dma_start3A_536 : memref<650000x128xi32, #tpu.memory_space<hbm>>) target(%dma_start3A_531 : memref<128x128xi32, #tpu.memory_space<vmem>>) offsets(%dma_start3A_533 : memref<128xi32, #tpu.memory_space<vmem>>) semaphore(%arg7 : memref<!tpu.dma_semaphore, #tpu.memory_space<semaphore_mem>>)
    %dma_start3A_537 = arith.constant 1 : i32
    %dma_start3A_538 = arith.constant 0 : i32
    %dma_start3A_539 = arith.constant 0 : i32
    %dma_start3A_540 = tpu.memref_slice %arg6[%dma_start3A_537, %dma_start3A_538, %dma_start3A_539] : memref<2x128x128xi32, #tpu.memory_space<vmem>> -> memref<1x128x128xi32, #tpu.memory_space<vmem>>
    %dma_start3A_541 = tpu.memref_squeeze %dma_start3A_540 : memref<1x128x128xi32, #tpu.memory_space<vmem>> -> memref<128x128xi32, #tpu.memory_space<vmem>>
    %dma_start3A_542 = arith.constant 3200 : i32
    %dma_start3A_543 = tpu.memref_slice %arg5[%dma_start3A_542] : memref<3328xi32, #tpu.memory_space<vmem>> -> memref<128xi32, #tpu.memory_space<vmem>>
    %dma_start3A_544 = arith.constant 0 : i32
    %dma_start3A_545 = arith.constant 0 : i32
    %dma_start3A_546 = tpu.memref_slice %arg2[%dma_start3A_544, %dma_start3A_545] : memref<650000x128xi32, #tpu.memory_space<hbm>> -> memref<650000x128xi32, #tpu.memory_space<hbm>>
    tpu.enqueue_indirect_dma source(%dma_start3A_546 : memref<650000x128xi32, #tpu.memory_space<hbm>>) target(%dma_start3A_541 : memref<128x128xi32, #tpu.memory_space<vmem>>) offsets(%dma_start3A_543 : memref<128xi32, #tpu.memory_space<vmem>>) semaphore(%arg7 : memref<!tpu.dma_semaphore, #tpu.memory_space<semaphore_mem>>)
    %dma_wait3A_547 = arith.constant 0 : i32
    %dma_wait3A_548 = arith.constant 0 : i32
    %dma_wait3A_549 = arith.constant 0 : i32
    %dma_wait3A_550 = tpu.memref_slice %arg6[%dma_wait3A_547, %dma_wait3A_548, %dma_wait3A_549] : memref<2x128x128xi32, #tpu.memory_space<vmem>> -> memref<1x128x128xi32, #tpu.memory_space<vmem>>
    %dma_wait3A_551 = tpu.memref_squeeze %dma_wait3A_550 : memref<1x128x128xi32, #tpu.memory_space<vmem>> -> memref<128x128xi32, #tpu.memory_space<vmem>>
    %dma_wait3A_552 = arith.constant 3072 : i32
    %dma_wait3A_553 = tpu.memref_slice %arg5[%dma_wait3A_552] : memref<3328xi32, #tpu.memory_space<vmem>> -> memref<128xi32, #tpu.memory_space<vmem>>
    %dma_wait3A_554 = arith.constant 0 : i32
    %dma_wait3A_555 = arith.constant 0 : i32
    %dma_wait3A_556 = tpu.memref_slice %arg2[%dma_wait3A_554, %dma_wait3A_555] : memref<650000x128xi32, #tpu.memory_space<hbm>> -> memref<650000x128xi32, #tpu.memory_space<hbm>>
    tpu.wait_indirect_dma semaphore(%arg7 : memref<!tpu.dma_semaphore, #tpu.memory_space<semaphore_mem>>) src(%dma_wait3A_556 : memref<650000x128xi32, #tpu.memory_space<hbm>>) dst(%dma_wait3A_551 : memref<128x128xi32, #tpu.memory_space<vmem>>)
    %dma_wait3A_557 = arith.constant 1 : i32
    %dma_wait3A_558 = arith.constant 0 : i32
    %dma_wait3A_559 = arith.constant 0 : i32
    %dma_wait3A_560 = tpu.memref_slice %arg6[%dma_wait3A_557, %dma_wait3A_558, %dma_wait3A_559] : memref<2x128x128xi32, #tpu.memory_space<vmem>> -> memref<1x128x128xi32, #tpu.memory_space<vmem>>
    %dma_wait3A_561 = tpu.memref_squeeze %dma_wait3A_560 : memref<1x128x128xi32, #tpu.memory_space<vmem>> -> memref<128x128xi32, #tpu.memory_space<vmem>>
    %dma_wait3A_562 = arith.constant 3200 : i32
    %dma_wait3A_563 = tpu.memref_slice %arg5[%dma_wait3A_562] : memref<3328xi32, #tpu.memory_space<vmem>> -> memref<128xi32, #tpu.memory_space<vmem>>
    %dma_wait3A_564 = arith.constant 0 : i32
    %dma_wait3A_565 = arith.constant 0 : i32
    %dma_wait3A_566 = tpu.memref_slice %arg2[%dma_wait3A_564, %dma_wait3A_565] : memref<650000x128xi32, #tpu.memory_space<hbm>> -> memref<650000x128xi32, #tpu.memory_space<hbm>>
    tpu.wait_indirect_dma semaphore(%arg7 : memref<!tpu.dma_semaphore, #tpu.memory_space<semaphore_mem>>) src(%dma_wait3A_566 : memref<650000x128xi32, #tpu.memory_space<hbm>>) dst(%dma_wait3A_561 : memref<128x128xi32, #tpu.memory_space<vmem>>)
    %mul3A_567 = arith.constant 26 : i32
    %mul3A_568 = arith.muli %add3A, %mul3A_567 : i32
    %add3A_569 = arith.constant 24 : i32
    %add3A_570 = arith.addi %mul3A_568, %add3A_569 : i32
    "tpu.region"() ({
      %run_scoped3A = tpu.sem_alloc : memref<!tpu.dma_semaphore, #tpu.memory_space<semaphore_mem>>
      %dma_start3A_571 = arith.constant 0 : i32
      %dma_start3A_572 = arith.constant 0 : i32
      %dma_start3A_573 = tpu.memref_slice %arg4[%add3A_570, %dma_start3A_571, %dma_start3A_572] : memref<832x128x128xi32, #tpu.memory_space<hbm>> -> memref<2x128x128xi32, #tpu.memory_space<hbm>>
      %dma_start3A_574 = arith.constant 0 : i32
      %dma_start3A_575 = arith.constant 0 : i32
      %dma_start3A_576 = tpu.memref_slice %arg4[%add3A_570, %dma_start3A_574, %dma_start3A_575] : memref<832x128x128xi32, #tpu.memory_space<hbm>> -> memref<2x128x128xi32, #tpu.memory_space<hbm>>
      tpu.enqueue_dma source(%arg6 : memref<2x128x128xi32, #tpu.memory_space<vmem>>) target(%dma_start3A_576 : memref<2x128x128xi32, #tpu.memory_space<hbm>>) target_semaphore(%run_scoped3A : memref<!tpu.dma_semaphore, #tpu.memory_space<semaphore_mem>>)
      %dma_wait3A_577 = arith.constant 0 : i32
      %dma_wait3A_578 = arith.constant 0 : i32
      %dma_wait3A_579 = tpu.memref_slice %arg4[%add3A_570, %dma_wait3A_577, %dma_wait3A_578] : memref<832x128x128xi32, #tpu.memory_space<hbm>> -> memref<2x128x128xi32, #tpu.memory_space<hbm>>
      %dma_wait3A_580 = arith.constant 0 : i32
      %dma_wait3A_581 = arith.constant 0 : i32
      %dma_wait3A_582 = tpu.memref_slice %arg4[%add3A_570, %dma_wait3A_580, %dma_wait3A_581] : memref<832x128x128xi32, #tpu.memory_space<hbm>> -> memref<2x128x128xi32, #tpu.memory_space<hbm>>
      tpu.wait_dma2 semaphore(%run_scoped3A : memref<!tpu.dma_semaphore, #tpu.memory_space<semaphore_mem>>) src(%arg6 : memref<2x128x128xi32, #tpu.memory_space<vmem>>) dst(%dma_wait3A_582 : memref<2x128x128xi32, #tpu.memory_space<hbm>>)
      tpu.yield
    }) : () -> ()
    return
  }
}

</mosaic_0001>

<sc_bundles>
// kernel: _sc_gather.3.cloned.1.call-start
scs
__scs_entry_jumppad:
0x0: {  	(pc) =	sbr.rel $0x88, $3  }
0x1: {  	(tag) =	ssettag $0x0;
	lr =	simm.s32 $0x1  }
0x2: {  	[smem:$0x3F9F] =	sst lr;
	_ =	strace $0xD0000000  }
0x3: {  	_ = 	snop  }
0x4: {  	_ = 	snop  }
0x5: {  	_ = 	snop  }
0x6: {  	_ = 	snop  }
0x7: {  	_ = 	snop  }
__scs_overlays_trampoline_lowered:
0x8: {  	[smem:$0x3FAE] =	sst s0  }
0x9: {  	[smem:$0x3FAF] =	sst s1  }
0xa: {  	[smem:$0x3FB0] =	sst s2  }
0xb: {  	[smem:$0x3FB1] =	sst s3  }
0xc: {  	[smem:$0x3FB2] =	sst s4  }
0xd: {  	[smem:$0x3FB3] =	sst s5  }
0xe: {  	[smem:$0x3FB4] =	sst s6  }
0xf: {  	[smem:$0x3FB5] =	sst s7  }
0x10: {  	[smem:$0x3FB6] =	sst s8  }
0x11: {  	[smem:$0x3FB7] =	sst s9;
	s0 =	simm.s32 @!p0 $0x0  }
0x12: {  	s1 =	sld [smem:$0x3F9D];
	s0 =	simm.s32 @p0 $0x1  }
0x13: {  	[smem:$0x3FB8] =	sst s0;
	s0 =	simm.s32 @!p1 $0x0  }
0x14: {  	s2 =	sld [smem:$0x3F9C];
	s0 =	simm.s32 @p1 $0x1  }
0x15: {  	[smem:$0x3FB9] =	sst s0;
	s0 =	simm.s32 @!p2 $0x0  }
0x16: {  	s3 =	sld [smem:$0x3FDB];
	s0 =	simm.s32 @p2 $0x1  }
0x17: {  	s4 =	simm.s32 $0x1BF5;
	[smem:$0x3FBB] =	sst s0  }
0x18: {  	s0 =	sld [smem:$0x3F9E];
	_ =	swait.ge [sflag:s4], $0x0  }
0x19: {  	s7 =	sld [smem:$0x3F9F]  }
0x1a: {  	s8 =	sadd.s32 $0xFFFFE003, lr  }
0x1b: {  	s9 =	sadd.s32 $0xFFFFFEF7, lr;
	s5 =	simm.s32 $0xFFFFFFFF;
	p2 =	slt.u32 s8, $0xFFFFF086  }
0x1c: {  	p1 =	slt.u32 s9, $0xF7A;
	s5 =	simm.s32 @!p2 $0x0  }
0x1d: {  	s5 =	simm.s32 @p1 $0x1;
	p0 =	seq.s32 s7, s2  }
0x1e: {  	s7 =	smul.u32 @!p0 $0xF7A, s2;
	p2 =	seq.s32 @!p0 s5, $0x0  }
0x1f: {  	s9 =	smul.u32 $0xF7A, s1;
	s8 =	simm.s32 @!p0 $0x1BF5;
	p2 =	por !p2, p0  }
0x20: {  	[sflag:s8] =	ssyncset.s32 @!p0 $0xFFFFF086;
	s6 =	sadd.s32 @!p0 s3, s7;
	s7 =	simm.s32 @!p0 $0x108  }
0x21: {  	s3 =	sadd.s32 s3, s9;
	s6 =	sadd.s32 @!p0 $0x88, s6;
	s7 =	simm.s32 @p2 $0x1082  }
0x22: {  	[simem:s7], [sflag:s8] =	dma.local @!p0 [hbm:s6], $0xF7A  }
0x23: {  	s9 =	sor.u32 $0xD0000000, s2;
	s6 =	simm.s32 $0x108;
	_ =	swait.ge @!p0 [sflag:s8], $0x0  }
0x24: {  	s3 =	sadd.s32 $0x88, s3;
	s6 =	simm.s32 @!p1 $0x1082;
	[sflag:s4] =	ssyncset.s32 $0xFFFFF086  }
0x25: {  	[simem:s6], [sflag:s4] =	dma.local [hbm:s3], $0xF7A  }
0x26: {  	[smem:$0x3F9F] =	sst s1;
	(tag) =	ssettag s2;
	_ =	strace s9  }
0x27: {  	s1 =	sld [smem:$0x3FAF]  }
0x28: {  	s2 =	sld [smem:$0x3FB0]  }
0x29: {  	s4 =	sld [smem:$0x3FB2]  }
0x2a: {  	p0 =	seq.s32 s5, $0x0;
	s5 =	sld [smem:$0x3FB3]  }
0x2b: {  	s6 =	sld [smem:$0x3FB4]  }
0x2c: {  	s7 =	sld [smem:$0x3FB5]  }
0x2d: {  	s3 =	simm.s32 $0x108;
	s8 =	sld [smem:$0x3FB6]  }
0x2e: {  	s3 =	simm.s32 @!p0 $0x1082;
	s9 =	sld [smem:$0x3FB7]  }
0x2f: {  	lr =	sadd.s32 s0, s3;
	s0 =	sld [smem:$0x3FAE]  }
0x30: {  	s3 =	sld [smem:$0x3FB1]  }
0x31: {  	[smem:$0x3FBA] =	sst s10  }
0x32: {  	s10 =	sld [smem:$0x3FB8];
	_ =	sdelay $0x3  }
0x33: {  	p0 =	seq.s32 s10, $0x1;
	s10 =	sld [smem:$0x3FBA];
	_ =	sdelay $0x3  }
0x34: {  	[smem:$0x3FBA] =	sst s10  }
0x35: {  	s10 =	sld [smem:$0x3FB9];
	_ =	sdelay $0x3  }
0x36: {  	p1 =	seq.s32 s10, $0x1;
	s10 =	sld [smem:$0x3FBA];
	_ =	sdelay $0x3  }
0x37: {  	[smem:$0x3FBA] =	sst s10  }
0x38: {  	s10 =	sld [smem:$0x3FBB]  }
0x39: {  	_ = 	snop;
	(pc) =	sbr.ind lr, $3  }
0x3a: {  	_ = 	snop  }
0x3b: {  	_ = 	snop  }
0x3c: {  	p2 =	seq.s32 s10, $0x1;
	s10 =	sld [smem:$0x3FBA]  }
0x3d: {  	_ =	shalt  }
0x3e: {  	_ =	shalt  }
0x3f: {  	_ =	shalt  }
0x40: {  	_ =	shalt  }
0x41: {  	_ =	shalt  }
0x42: {  	_ =	shalt  }
0x43: {  	_ =	shalt  }
0x44: {  	_ =	shalt  }
0x45: {  	_ =	shalt  }
0x46: {  	_ =	shalt  }
0x47: {  	_ =	shalt  }
0x48: {  	_ =	shalt  }
0x49: {  	_ =	shalt  }
0x4a: {  	_ =	shalt  }
0x4b: {  	_ =	shalt  }
0x4c: {  	_ =	shalt  }
0x4d: {  	_ =	shalt  }
0x4e: {  	_ =	shalt  }
0x4f: {  	_ =	shalt  }
0x50: {  	_ =	shalt  }
0x51: {  	_ =	shalt  }
0x52: {  	_ =	shalt  }
0x53: {  	_ =	shalt  }
0x54: {  	_ =	shalt  }
0x55: {  	_ =	shalt  }
0x56: {  	_ =	shalt  }
0x57: {  	_ =	shalt  }
0x58: {  	_ =	shalt  }
0x59: {  	_ =	shalt  }
0x5a: {  	_ =	shalt  }
0x5b: {  	_ =	shalt  }
0x5c: {  	_ =	shalt  }
0x5d: {  	_ =	shalt  }
0x5e: {  	_ =	shalt  }
0x5f: {  	_ =	shalt  }
0x60: {  	_ =	shalt  }
0x61: {  	_ =	shalt  }
0x62: {  	_ =	shalt  }
0x63: {  	_ =	shalt  }
0x64: {  	_ =	shalt  }
0x65: {  	_ =	shalt  }
0x66: {  	_ =	shalt  }
0x67: {  	_ =	shalt  }
0x68: {  	_ =	shalt  }
0x69: {  	_ =	shalt  }
0x6a: {  	_ =	shalt  }
0x6b: {  	_ =	shalt  }
0x6c: {  	_ =	shalt  }
0x6d: {  	_ =	shalt  }
0x6e: {  	_ =	shalt  }
0x6f: {  	_ =	shalt  }
0x70: {  	_ =	shalt  }
0x71: {  	_ =	shalt  }
0x72: {  	_ =	shalt  }
0x73: {  	_ =	shalt  }
0x74: {  	_ =	shalt  }
0x75: {  	_ =	shalt  }
0x76: {  	_ =	shalt  }
0x77: {  	_ =	shalt  }
0x78: {  	_ =	shalt  }
0x79: {  	_ =	shalt  }
0x7a: {  	_ =	shalt  }
0x7b: {  	_ =	shalt  }
0x7c: {  	_ =	shalt  }
0x7d: {  	_ =	shalt  }
0x7e: {  	_ =	shalt  }
0x7f: {  	_ =	shalt  }
0x80: {  	_ =	shalt  }
0x81: {  	_ =	shalt  }
0x82: {  	_ =	shalt  }
0x83: {  	_ =	shalt  }
0x84: {  	_ =	shalt  }
0x85: {  	_ =	shalt  }
0x86: {  	_ =	shalt  }
0x87: {  	_ =	shalt  }
.Lfunc_end0:
.L_simem_size_0:
called_computation_lowered:
.L_overlay_start_0:
0x88: {  	s2 =	sld [smem:$0x3FD9]  }
0x89: {  	s3 =	sld [smem:$0x3FFE];
	_ =	sdelay $0x1  }
0x8a: {  	s1 =	srdreg.scid  }
0x8b: {  	s0 =	sand.u32 $0x1, s1  }
0x8c: {  	s18 =	sshll.u32 s0, $0xA;
	s2 =	sadd.s32 s3, s2  }
0x8d: {  	s2 =	sadd.s32 s2, s18  }
0x8e: {  	[smem:$0x3FC6] =	sst s2  }
0x8f: {  	_ = 	snop  }
0x90: {  	s2 =	sld [smem:$0x3FC9]  }
0x91: {  	s19 =	sld [smem:$0x3FC8]  }
0x92: {  	s4 =	sld [smem:$0x3FD0];
	(tm) =	ssettm $0x1  }
0x93: {  	s5 =	sld [smem:$0x3FFB];
	_ =	sdelay $0x3  }
0x94: {  	_ =	strace s5  }
0x95: {  	s5 =	sld [smem:$0x3FFC];
	_ =	sdelay $0x3  }
0x96: {  	_ =	strace s5  }
0x97: {  	s5 =	sld [smem:$0x3FFD];
	_ =	sdelay $0x3  }
0x98: {  	_ =	strace s5  }
0x99: {  	_ =	strace $0x8FFFFFFF  }
0x9a: {  	s20 =	sld [smem:$0x3FDB];
	_ =	sdelay $0x1  }
0x9b: {  	s6 =	simm.s32 $_scs_section_size  }
0x9c: {  	s7 =	simm.s32 $_size__tile_overlayer_lowered;
	s8 =	simm.s32 $_tile_overlayer_lowered  }
0x9d: {  	s23 =	simm.s32 $0x1BFF;
	s22 =	sshll.u32 s8, $0x1;
	s5 =	sadd.s32 s6, s20  }
0x9e: {  	s9 =	simm.s32 $0x0;
	s21 =	sshll.u32 s7, $0x1;
	s7 =	sadd.s32 s22, s5  }
0x9f: {  	[timem:s9], [sflag:s23] =	dma.local [hbm:s7], s21  }
0xa0: {  	_ =	swait.ge [sflag:s23], s21  }
0xa1: {  	s6 =	ssub.s32 $0x0, s21;
	[sflag:s23] =	ssyncset.done $0x0  }
0xa2: {  	[sflag:s23] =	ssyncadd.s32 s6;
	_ =	sdelay $0x1  }
0xa3: {  	s24 =	simm.s32 $0x1B8B  }
0xa4: {  	_ =	swait.ge [sflag:s24], $0x1  }
0xa5: {  	[sflag:s24] =	ssyncset.done $0x0  }
0xa6: {  	s25 =	simm.s32 $0x1B8E;
	[sflag:s24] =	ssyncadd.s32 $0xFFFFFFFF  }
0xa7: {  	s26 =	simm.s32 $execute0_lowered;
	[smem:$0x3FD2] =	sst s25  }
0xa8: {  	s6 =	sshll.u32 s26, $0x1;
	_ =	strace $0x80000046;
	[dreg:$0x1] =	wrdreg $0xFFFFFFFF  }
0xa9: {  	s28 =	simm.s32 $_size_execute0_lowered;
	s5 =	sadd.s32 s5, s6;
	[dreg:$0x0] =	wrdreg $0x0  }
0xaa: {  	s6 =	sshll.u32 s28, $0x1;
	[dreg:$0x2] =	wrdreg s5  }
0xab: {  	[dreg:$0x3] =	wrdreg s6  }
0xac: {  	[dreg:$0x4] =	wrdreg $0xC0  }
0xad: {  	_ =	task [dreg:s9], $0x5FFFF  }
0xae: {  	[dreg:$0x1] =	wrdreg $0xFFFFFFFF  }
0xaf: {  	[dreg:$0x0] =	wrdreg $0x60  }
0xb0: {  	[dreg:$0x2] =	wrdreg s2  }
0xb1: {  	[dreg:$0x3] =	wrdreg s19  }
0xb2: {  	[dreg:$0x4] =	wrdreg s4  }
0xb3: {  	[dreg:$0x5] =	wrdreg $0x9  }
0xb4: {  	_ =	task.clear_ibuf [dreg:s9], $0x6FFFF;
	_ =	strace $0x90000046  }
0xb5: {  	s29 =	simm.s32 $0x9;
	_ =	strace $0x80000048  }
0xb6: {  	_ =	swait.ge [sflag:s29], $0x1  }
0xb7: {  	[sflag:s29] =	ssyncadd.s32 $0xFFFFFFFF  }
0xb8: {  	_ =	strace $0x90000048  }
0xb9: {  	_ =	sfence  }
0xba: {  	s30 =	sld [smem:$0x0];
	_ =	sdelay $0x2  }
0xbb: {  	s31 =	sshll.u32 s1, $0xD;
	s1 =	sshrl.u32 s1, $0x2  }
0xbc: {  	s3 =	sand.u32 $0x4000, s31;
	s1 =	sadd.s32 s1, s30  }
0xbd: {  	s0 =	sor.u32 s3, s0;
	s1 =	sshll.u32 s1, $0x11  }
0xbe: {  	s0 =	sor.u32 s1, s0  }
0xbf: {  	s0 =	sadd.s32 $0x8F2B, s0  }
0xc0: {  	[sflag:s0] =	ssyncadd.remote.s32 $0x1  }
0xc1: {  	_ =	sfence.sel $0xFFFF  }
0xc2: {  	[dreg:$0x0] =	wrdreg $0xFFFFFFFF;
	(pc) =	sbr.abs _section_cstart, $3  }
0xc3: {  	[dreg:$0x1] =	wrdreg $0xFFFFFFFF  }
0xc4: {  	_ =	task.clear_ibuf [dreg:s9], $0x2FFFF;
	_ =	strace $0x9FFFFFFF  }
0xc5: {  	(tm) =	ssettm $0x7FFFFFFF  }
tec
execute0_lowered:
.L_overlay_start_1:
0x0: {  	(tag) =	ssettag $0x1  }
0x1: {  	s0 =	srdreg.scid;
	s2 =	rddreg [dreg:$0x0]  }
0x2: {  	s9 =	stileid.u32;
	s4 =	rddreg [dreg:$0x1]  }
0x3: {  	s5 =	rddreg [dreg:$0x2];
	s25 =	simm.s32 $0x100;
	s26 =	simm.s32 $0x180  }
0x4: {  	s31 =	simm.s32 $0x200;
	s29 =	simm.s32 $0x300;
	s30 =	simm.s32 $0x380  }
0x5: {  	s0 =	sand.u32 $0x1, s0;
	s1 =	sshll.u32 s9, $0x1;
	s3 =	sshrl.u32 s9, $0x2  }
0x6: {  	s28 =	simm.s32 $0x480;
	s1 =	sor.u32 s0, s1;
	s6 =	smul.u32 $0x6800, s3  }
0x7: {  	p0 =	por $0x0, $0x0;
	s3 =	simm.s32 $0x0;
	s8 =	smul.u32 $0x68000, s1  }
0x8: {  	s7 =	sshll.u32 s1, $0x7;
	[smem:$0x7FF] =	sst s3;
	s1 =	smul.u32 $0xD000, s1  }
0x9: {  	s7 =	sand.u32 $0x380, s7;
	_ =	strace $0x80000047;
	[dreg:$0x12] =	wrdreg s25  }
0xa: {  	s0 =	ssub.s32 $0x2, s0;
	[dreg:$0x13] =	wrdreg s26;
	s6 =	sor.u32 s6, s7  }
0xb: {  	s10 =	sshrl.u32 s8, $0x3;
	s1 =	sadd.s32 s5, s1;
	s6 =	sshrl.u32 s6, $0x3  }
0xc: {  	s11 =	sadd.s32 s5, s10;
	[dreg:$0x5] =	wrdreg s1;
	s4 =	sadd.s32 s4, s6  }
0xd: {  	s23 =	sshrl.u32 s0, $0x1;
	s12 =	sadd.s32 $0x1000, s11;
	[dreg:$0x4] =	wrdreg s4  }
0xe: {  	s0 =	ssub.s32 s0, s23;
	s13 =	sadd.s32 $0x2000, s11;
	[dreg:$0x6] =	wrdreg s12  }
0xf: {  	s23 =	simm.s32 $0x400;
	s14 =	sadd.s32 $0x3000, s11;
	[dreg:$0x7] =	wrdreg s13  }
0x10: {  	s25 =	simm.s32 $0x500;
	s15 =	sadd.s32 $0x4000, s11;
	[dreg:$0x8] =	wrdreg s14  }
0x11: {  	s26 =	simm.s32 $0x580;
	s16 =	sadd.s32 $0x5000, s11;
	[dreg:$0x9] =	wrdreg s15  }
0x12: {  	s0 =	smax.u32 s0, $0x1;
	s17 =	sadd.s32 $0x6000, s11;
	[dreg:$0xa] =	wrdreg s16  }
0x13: {  	s8 =	simm.s32 $0x4D00;
	s18 =	sadd.s32 $0x7000, s11;
	[dreg:$0xb] =	wrdreg s17  }
0x14: {  	s7 =	simm.s32 $0x1;
	s19 =	sadd.s32 $0x8000, s11;
	[dreg:$0xc] =	wrdreg s18  }
0x15: {  	s5 =	simm.s32 $0xD00;
	s20 =	sadd.s32 $0x9000, s11;
	[dreg:$0xd] =	wrdreg s19  }
0x16: {  	p1 =	sne.s32 s0, $0x1;
	s21 =	sadd.s32 $0xA000, s11;
	[dreg:$0xe] =	wrdreg s20  }
0x17: {  	s1 =	sadd.s32 $0xFFFFFFFF, s0;
	s22 =	sadd.s32 $0xB000, s11;
	[dreg:$0xf] =	wrdreg s21  }
0x18: {  	s10 =	simm.s32 $0xC00;
	s24 =	sadd.s32 $0xC000, s11;
	[dreg:$0x10] =	wrdreg s22  }
0x19: {  	s6 =	simm.s32 $0x80;
	s11 =	simm.s32 $0xC80;
	[dreg:$0x11] =	wrdreg s24  }
.Ltmp0:
0x1a: {  	s4 =	simm.s32 $0x2;
	s16 =	simm.s32 $0x280;
	(pc) =	sbr.rel @!p1 .LBB2_1-.Ltmp0, $4  }
0x1b: {  	s22 =	simm.s32 $0x600;
	s24 =	simm.s32 $0x680;
	s20 =	simm.s32 $0x700  }
0x1c: {  	s21 =	simm.s32 $0x780;
	s18 =	simm.s32 $0x800;
	s19 =	simm.s32 $0x880  }
0x1d: {  	s17 =	simm.s32 $0x980;
	s14 =	simm.s32 $0xA00;
	s15 =	simm.s32 $0xA80  }
0x1e: {  	s12 =	simm.s32 $0xB00;
	s13 =	simm.s32 $0xB80;
	s0 =	rddreg [dreg:$0x4]  }
0x1f: {  	[tilespmem:s3], [sflag:$0x2] =	stream.strided.gather [hbm4b:s0+s6], $0xD00, s23, s6, $0x38;
	[tilespmem:$0x8D00] =	vst v63  }
0x20: {  	_ =	swait.ge [sflag:s4], $0xD00  }
0x21: {  	[sflag:s4] =	ssyncset.done $0x0  }
0x22: {  	[sflag:s4] =	ssyncadd.s32 $0xFFFFF300  }
0x23: {  	[tilespmem:s5], [sflag:$0x1] =	stream.indirect.gather [hbm4b:s2+s6], $0x80, s3, s6, $0xb8;
	[tilespmem:$0x8D00] =	vst v63  }
0x24: {  	_ = 	snop  }
0x25: {  	[tilespmem:s8], [sflag:$0x1] =	stream.indirect.gather [hbm4b:s2+s6], $0x80, s6, s6, $0xb8;
	[tilespmem:$0x8D00] =	vst v63  }
0x26: {  	_ =	swait.ge [sflag:s7], $0x4000  }
0x27: {  	[sflag:s7] =	ssyncset.done $0x0  }
0x28: {  	[sflag:s7] =	ssyncadd.s32 $0xFFFFC000  }
0x29: {  	_ =	swait.ge [sflag:s7], $0x4000  }
0x2a: {  	[sflag:s7] =	ssyncset.done $0x0  }
0x2b: {  	s9 =	rddreg [dreg:$0x5];
	[sflag:s7] =	ssyncadd.s32 $0xFFFFC000  }
0x2c: {  	[hbm4b:s9+s3] =	stream.linear.scatter [tilespmem:s5], [sflag:$0x2], $0x8000, $0x38;
	[tilespmem:$0x8D00] =	vst v63  }
0x2d: {  	_ =	swait.ge [sflag:s4], $0x8000  }
0x2e: {  	[sflag:s4] =	ssyncset.done $0x0  }
0x2f: {  	s0 =	rddreg [dreg:$0x12];
	[sflag:s4] =	ssyncadd.s32 $0xFFFF8000  }
0x30: {  	[tilespmem:s5], [sflag:$0x1] =	stream.indirect.gather [hbm4b:s2+s6], $0x80, s0, s6, $0xb8;
	[tilespmem:$0x8D00] =	vst v63  }
0x31: {  	s9 =	smov.u32 s1;
	s1 =	rddreg [dreg:$0x13]  }
0x32: {  	[tilespmem:s8], [sflag:$0x1] =	stream.indirect.gather [hbm4b:s2+s6], $0x80, s1, s6, $0xb8;
	[tilespmem:$0x8D00] =	vst v63  }
0x33: {  	_ =	swait.ge [sflag:s7], $0x4000  }
0x34: {  	[sflag:s7] =	ssyncset.done $0x0  }
0x35: {  	[sflag:s7] =	ssyncadd.s32 $0xFFFFC000  }
0x36: {  	_ =	swait.ge [sflag:s7], $0x4000  }
0x37: {  	[sflag:s7] =	ssyncset.done $0x0  }
0x38: {  	s1 =	rddreg [dreg:$0x6];
	[sflag:s7] =	ssyncadd.s32 $0xFFFFC000  }
0x39: {  	[hbm4b:s1+s3] =	stream.linear.scatter [tilespmem:s5], [sflag:$0x2], $0x8000, $0x38;
	[tilespmem:$0x8D00] =	vst v63  }
0x3a: {  	_ =	swait.ge [sflag:s4], $0x8000  }
0x3b: {  	[sflag:s4] =	ssyncset.done $0x0  }
0x3c: {  	[sflag:s4] =	ssyncadd.s32 $0xFFFF8000  }
0x3d: {  	[tilespmem:s5], [sflag:$0x1] =	stream.indirect.gather [hbm4b:s2+s6], $0x80, s31, s6, $0xb8;
	[tilespmem:$0x8D00] =	vst v63  }
0x3e: {  	_ = 	snop  }
0x3f: {  	[tilespmem:s8], [sflag:$0x1] =	stream.indirect.gather [hbm4b:s2+s6], $0x80, s16, s6, $0xb8;
	[tilespmem:$0x8D00] =	vst v63  }
0x40: {  	_ =	swait.ge [sflag:s7], $0x4000  }
0x41: {  	[sflag:s7] =	ssyncset.done $0x0  }
0x42: {  	[sflag:s7] =	ssyncadd.s32 $0xFFFFC000  }
0x43: {  	_ =	swait.ge [sflag:s7], $0x4000  }
0x44: {  	[sflag:s7] =	ssyncset.done $0x0  }
0x45: {  	s1 =	rddreg [dreg:$0x7];
	[sflag:s7] =	ssyncadd.s32 $0xFFFFC000  }
0x46: {  	[hbm4b:s1+s3] =	stream.linear.scatter [tilespmem:s5], [sflag:$0x2], $0x8000, $0x38;
	[tilespmem:$0x8D00] =	vst v63  }
0x47: {  	_ =	swait.ge [sflag:s4], $0x8000  }
0x48: {  	[sflag:s4] =	ssyncset.done $0x0  }
0x49: {  	[sflag:s4] =	ssyncadd.s32 $0xFFFF8000  }
0x4a: {  	[tilespmem:s5], [sflag:$0x1] =	stream.indirect.gather [hbm4b:s2+s6], $0x80, s29, s6, $0xb8;
	[tilespmem:$0x8D00] =	vst v63  }
0x4b: {  	_ = 	snop  }
0x4c: {  	[tilespmem:s8], [sflag:$0x1] =	stream.indirect.gather [hbm4b:s2+s6], $0x80, s30, s6, $0xb8;
	[tilespmem:$0x8D00] =	vst v63  }
0x4d: {  	_ =	swait.ge [sflag:s7], $0x4000  }
0x4e: {  	[sflag:s7] =	ssyncset.done $0x0  }
0x4f: {  	[sflag:s7] =	ssyncadd.s32 $0xFFFFC000  }
0x50: {  	_ =	swait.ge [sflag:s7], $0x4000  }
0x51: {  	[sflag:s7] =	ssyncset.done $0x0  }
0x52: {  	s1 =	rddreg [dreg:$0x8];
	[sflag:s7] =	ssyncadd.s32 $0xFFFFC000  }
0x53: {  	[hbm4b:s1+s3] =	stream.linear.scatter [tilespmem:s5], [sflag:$0x2], $0x8000, $0x38;
	[tilespmem:$0x8D00] =	vst v63  }
0x54: {  	_ =	swait.ge [sflag:s4], $0x8000  }
0x55: {  	[sflag:s4] =	ssyncset.done $0x0  }
0x56: {  	[sflag:s4] =	ssyncadd.s32 $0xFFFF8000  }
0x57: {  	[tilespmem:s5], [sflag:$0x1] =	stream.indirect.gather [hbm4b:s2+s6], $0x80, s23, s6, $0xb8;
	[tilespmem:$0x8D00] =	vst v63  }
0x58: {  	_ = 	snop  }
0x59: {  	[tilespmem:s8], [sflag:$0x1] =	stream.indirect.gather [hbm4b:s2+s6], $0x80, s28, s6, $0xb8;
	[tilespmem:$0x8D00] =	vst v63  }
0x5a: {  	_ =	swait.ge [sflag:s7], $0x4000  }
0x5b: {  	[sflag:s7] =	ssyncset.done $0x0  }
0x5c: {  	[sflag:s7] =	ssyncadd.s32 $0xFFFFC000  }
0x5d: {  	_ =	swait.ge [sflag:s7], $0x4000  }
0x5e: {  	[sflag:s7] =	ssyncset.done $0x0  }
0x5f: {  	s1 =	rddreg [dreg:$0x9];
	[sflag:s7] =	ssyncadd.s32 $0xFFFFC000  }
0x60: {  	[hbm4b:s1+s3] =	stream.linear.scatter [tilespmem:s5], [sflag:$0x2], $0x8000, $0x38;
	[tilespmem:$0x8D00] =	vst v63  }
0x61: {  	_ =	swait.ge [sflag:s4], $0x8000  }
0x62: {  	[sflag:s4] =	ssyncset.done $0x0  }
0x63: {  	[sflag:s4] =	ssyncadd.s32 $0xFFFF8000  }
0x64: {  	[tilespmem:s5], [sflag:$0x1] =	stream.indirect.gather [hbm4b:s2+s6], $0x80, s25, s6, $0xb8;
	[tilespmem:$0x8D00] =	vst v63  }
0x65: {  	_ = 	snop  }
0x66: {  	[tilespmem:s8], [sflag:$0x1] =	stream.indirect.gather [hbm4b:s2+s6], $0x80, s26, s6, $0xb8;
	[tilespmem:$0x8D00] =	vst v63  }
0x67: {  	_ =	swait.ge [sflag:s7], $0x4000  }
0x68: {  	[sflag:s7] =	ssyncset.done $0x0  }
0x69: {  	[sflag:s7] =	ssyncadd.s32 $0xFFFFC000  }
0x6a: {  	_ =	swait.ge [sflag:s7], $0x4000  }
0x6b: {  	[sflag:s7] =	ssyncset.done $0x0  }
0x6c: {  	s1 =	rddreg [dreg:$0xa];
	[sflag:s7] =	ssyncadd.s32 $0xFFFFC000  }
0x6d: {  	[hbm4b:s1+s3] =	stream.linear.scatter [tilespmem:s5], [sflag:$0x2], $0x8000, $0x38;
	[tilespmem:$0x8D00] =	vst v63  }
0x6e: {  	_ =	swait.ge [sflag:s4], $0x8000  }
0x6f: {  	[sflag:s4] =	ssyncset.done $0x0  }
0x70: {  	[sflag:s4] =	ssyncadd.s32 $0xFFFF8000  }
0x71: {  	[tilespmem:s5], [sflag:$0x1] =	stream.indirect.gather [hbm4b:s2+s6], $0x80, s22, s6, $0xb8;
	[tilespmem:$0x8D00] =	vst v63  }
0x72: {  	_ = 	snop  }
0x73: {  	[tilespmem:s8], [sflag:$0x1] =	stream.indirect.gather [hbm4b:s2+s6], $0x80, s24, s6, $0xb8;
	[tilespmem:$0x8D00] =	vst v63  }
0x74: {  	_ =	swait.ge [sflag:s7], $0x4000  }
0x75: {  	[sflag:s7] =	ssyncset.done $0x0  }
0x76: {  	[sflag:s7] =	ssyncadd.s32 $0xFFFFC000  }
0x77: {  	_ =	swait.ge [sflag:s7], $0x4000  }
0x78: {  	[sflag:s7] =	ssyncset.done $0x0  }
0x79: {  	s1 =	rddreg [dreg:$0xb];
	[sflag:s7] =	ssyncadd.s32 $0xFFFFC000  }
0x7a: {  	[hbm4b:s1+s3] =	stream.linear.scatter [tilespmem:s5], [sflag:$0x2], $0x8000, $0x38;
	[tilespmem:$0x8D00] =	vst v63  }
0x7b: {  	_ =	swait.ge [sflag:s4], $0x8000  }
0x7c: {  	[sflag:s4] =	ssyncset.done $0x0  }
0x7d: {  	[sflag:s4] =	ssyncadd.s32 $0xFFFF8000  }
0x7e: {  	[tilespmem:s5], [sflag:$0x1] =	stream.indirect.gather [hbm4b:s2+s6], $0x80, s20, s6, $0xb8;
	[tilespmem:$0x8D00] =	vst v63  }
0x7f: {  	_ = 	snop  }
0x80: {  	[tilespmem:s8], [sflag:$0x1] =	stream.indirect.gather [hbm4b:s2+s6], $0x80, s21, s6, $0xb8;
	[tilespmem:$0x8D00] =	vst v63  }
0x81: {  	_ =	swait.ge [sflag:s7], $0x4000  }
0x82: {  	[sflag:s7] =	ssyncset.done $0x0  }
0x83: {  	[sflag:s7] =	ssyncadd.s32 $0xFFFFC000  }
0x84: {  	_ =	swait.ge [sflag:s7], $0x4000  }
0x85: {  	[sflag:s7] =	ssyncset.done $0x0  }
0x86: {  	s1 =	rddreg [dreg:$0xc];
	[sflag:s7] =	ssyncadd.s32 $0xFFFFC000  }
0x87: {  	[hbm4b:s1+s3] =	stream.linear.scatter [tilespmem:s5], [sflag:$0x2], $0x8000, $0x38;
	[tilespmem:$0x8D00] =	vst v63  }
0x88: {  	_ =	swait.ge [sflag:s4], $0x8000  }
0x89: {  	[sflag:s4] =	ssyncset.done $0x0  }
0x8a: {  	[sflag:s4] =	ssyncadd.s32 $0xFFFF8000  }
0x8b: {  	[tilespmem:s5], [sflag:$0x1] =	stream.indirect.gather [hbm4b:s2+s6], $0x80, s18, s6, $0xb8;
	[tilespmem:$0x8D00] =	vst v63  }
0x8c: {  	_ = 	snop  }
0x8d: {  	[tilespmem:s8], [sflag:$0x1] =	stream.indirect.gather [hbm4b:s2+s6], $0x80, s19, s6, $0xb8;
	[tilespmem:$0x8D00] =	vst v63  }
0x8e: {  	_ =	swait.ge [sflag:s7], $0x4000  }
0x8f: {  	[sflag:s7] =	ssyncset.done $0x0  }
0x90: {  	[sflag:s7] =	ssyncadd.s32 $0xFFFFC000  }
0x91: {  	_ =	swait.ge [sflag:s7], $0x4000  }
0x92: {  	[sflag:s7] =	ssyncset.done $0x0  }
0x93: {  	s1 =	rddreg [dreg:$0xd];
	[sflag:s7] =	ssyncadd.s32 $0xFFFFC000  }
0x94: {  	[hbm4b:s1+s3] =	stream.linear.scatter [tilespmem:s5], [sflag:$0x2], $0x8000, $0x38;
	[tilespmem:$0x8D00] =	vst v63  }
0x95: {  	_ =	swait.ge [sflag:s4], $0x8000  }
0x96: {  	[sflag:s4] =	ssyncset.done $0x0  }
0x97: {  	s1 =	simm.s32 $0x900;
	[sflag:s4] =	ssyncadd.s32 $0xFFFF8000  }
0x98: {  	[tilespmem:s5], [sflag:$0x1] =	stream.indirect.gather [hbm4b:s2+s6], $0x80, s1, s6, $0xb8;
	[tilespmem:$0x8D00] =	vst v63  }
0x99: {  	_ = 	snop  }
0x9a: {  	[tilespmem:s8], [sflag:$0x1] =	stream.indirect.gather [hbm4b:s2+s6], $0x80, s17, s6, $0xb8;
	[tilespmem:$0x8D00] =	vst v63  }
0x9b: {  	_ =	swait.ge [sflag:s7], $0x4000  }
0x9c: {  	[sflag:s7] =	ssyncset.done $0x0  }
0x9d: {  	[sflag:s7] =	ssyncadd.s32 $0xFFFFC000  }
0x9e: {  	_ =	swait.ge [sflag:s7], $0x4000  }
0x9f: {  	[sflag:s7] =	ssyncset.done $0x0  }
0xa0: {  	s1 =	rddreg [dreg:$0xe];
	[sflag:s7] =	ssyncadd.s32 $0xFFFFC000  }
0xa1: {  	[hbm4b:s1+s3] =	stream.linear.scatter [tilespmem:s5], [sflag:$0x2], $0x8000, $0x38;
	[tilespmem:$0x8D00] =	vst v63  }
0xa2: {  	_ =	swait.ge [sflag:s4], $0x8000  }
0xa3: {  	[sflag:s4] =	ssyncset.done $0x0  }
0xa4: {  	[sflag:s4] =	ssyncadd.s32 $0xFFFF8000  }
0xa5: {  	[tilespmem:s5], [sflag:$0x1] =	stream.indirect.gather [hbm4b:s2+s6], $0x80, s14, s6, $0xb8;
	[tilespmem:$0x8D00] =	vst v63  }
0xa6: {  	_ = 	snop  }
0xa7: {  	[tilespmem:s8], [sflag:$0x1] =	stream.indirect.gather [hbm4b:s2+s6], $0x80, s15, s6, $0xb8;
	[tilespmem:$0x8D00] =	vst v63  }
0xa8: {  	_ =	swait.ge [sflag:s7], $0x4000  }
0xa9: {  	[sflag:s7] =	ssyncset.done $0x0  }
0xaa: {  	[sflag:s7] =	ssyncadd.s32 $0xFFFFC000  }
0xab: {  	_ =	swait.ge [sflag:s7], $0x4000  }
0xac: {  	[sflag:s7] =	ssyncset.done $0x0  }
0xad: {  	s1 =	rddreg [dreg:$0xf];
	[sflag:s7] =	ssyncadd.s32 $0xFFFFC000  }
0xae: {  	[hbm4b:s1+s3] =	stream.linear.scatter [tilespmem:s5], [sflag:$0x2], $0x8000, $0x38;
	[tilespmem:$0x8D00] =	vst v63  }
0xaf: {  	_ =	swait.ge [sflag:s4], $0x8000  }
0xb0: {  	[sflag:s4] =	ssyncset.done $0x0  }
0xb1: {  	[sflag:s4] =	ssyncadd.s32 $0xFFFF8000  }
0xb2: {  	[tilespmem:s5], [sflag:$0x1] =	stream.indirect.gather [hbm4b:s2+s6], $0x80, s12, s6, $0xb8;
	[tilespmem:$0x8D00] =	vst v63  }
0xb3: {  	_ = 	snop  }
0xb4: {  	[tilespmem:s8], [sflag:$0x1] =	stream.indirect.gather [hbm4b:s2+s6], $0x80, s13, s6, $0xb8;
	[tilespmem:$0x8D00] =	vst v63  }
0xb5: {  	_ =	swait.ge [sflag:s7], $0x4000  }
0xb6: {  	[sflag:s7] =	ssyncset.done $0x0  }
0xb7: {  	[sflag:s7] =	ssyncadd.s32 $0xFFFFC000  }
0xb8: {  	_ =	swait.ge [sflag:s7], $0x4000  }
0xb9: {  	[sflag:s7] =	ssyncset.done $0x0  }
0xba: {  	s1 =	rddreg [dreg:$0x10];
	[sflag:s7] =	ssyncadd.s32 $0xFFFFC000  }
0xbb: {  	[hbm4b:s1+s3] =	stream.linear.scatter [tilespmem:s5], [sflag:$0x2], $0x8000, $0x38;
	[tilespmem:$0x8D00] =	vst v63  }
0xbc: {  	_ =	swait.ge [sflag:s4], $0x8000  }
0xbd: {  	[sflag:s4] =	ssyncset.done $0x0  }
0xbe: {  	[sflag:s4] =	ssyncadd.s32 $0xFFFF8000  }
0xbf: {  	[tilespmem:s5], [sflag:$0x1] =	stream.indirect.gather [hbm4b:s2+s6], $0x80, s10, s6, $0xb8;
	[tilespmem:$0x8D00] =	vst v63  }
0xc0: {  	_ = 	snop  }
0xc1: {  	[tilespmem:s8], [sflag:$0x1] =	stream.indirect.gather [hbm4b:s2+s6], $0x80, s11, s6, $0xb8;
	[tilespmem:$0x8D00] =	vst v63  }
0xc2: {  	_ =	swait.ge [sflag:s7], $0x4000  }
0xc3: {  	[sflag:s7] =	ssyncset.done $0x0  }
0xc4: {  	[sflag:s7] =	ssyncadd.s32 $0xFFFFC000  }
0xc5: {  	p1 =	sne.s32 s9, $0x1;
	_ =	swait.ge [sflag:s7], $0x4000  }
.Ltmp1:
0xc6: {  	[sflag:s7] =	ssyncset.done $0x0;
	(pc) =	sbr.rel @!p1 .LBB2_3-.Ltmp1, $4  }
0xc7: {  	s1 =	rddreg [dreg:$0x11];
	[sflag:s7] =	ssyncadd.s32 $0xFFFFC000  }
0xc8: {  	[hbm4b:s1+s3] =	stream.linear.scatter [tilespmem:s5], [sflag:$0x2], $0x8000, $0x38;
	[tilespmem:$0x8D00] =	vst v63  }
0xc9: {  	p0 =	por $0x1, $0x1;
	_ =	swait.ge [sflag:s4], $0x8000  }
0xca: {  	s1 =	sadd.s32 $0xFFFFFFFF, s9;
	s0 =	rddreg [dreg:$0x4];
	[sflag:s4] =	ssyncset.done $0x0  }
.LBB2_4:
0xcb: {  	[sflag:s4] =	ssyncadd.s32 $0xFFFF8000  }
0xcc: {  	[tilespmem:s3], [sflag:$0x2] =	stream.strided.gather [hbm4b:s0+s6], $0xD00, s23, s6, $0x38;
	[tilespmem:$0x8D00] =	vst v63  }
0xcd: {  	_ =	swait.ge [sflag:s4], $0xD00  }
0xce: {  	[sflag:s4] =	ssyncset.done $0x0  }
0xcf: {  	[sflag:s4] =	ssyncadd.s32 $0xFFFFF300  }
0xd0: {  	[tilespmem:s5], [sflag:$0x1] =	stream.indirect.gather [hbm4b:s2+s6], $0x80, s3, s6, $0xb8;
	[tilespmem:$0x8D00] =	vst v63  }
0xd1: {  	_ = 	snop  }
0xd2: {  	[tilespmem:s8], [sflag:$0x1] =	stream.indirect.gather [hbm4b:s2+s6], $0x80, s6, s6, $0xb8;
	[tilespmem:$0x8D00] =	vst v63  }
0xd3: {  	_ =	swait.ge [sflag:s7], $0x4000  }
0xd4: {  	[sflag:s7] =	ssyncset.done $0x0  }
0xd5: {  	[sflag:s7] =	ssyncadd.s32 $0xFFFFC000  }
0xd6: {  	_ =	swait.ge [sflag:s7], $0x4000  }
0xd7: {  	[sflag:s7] =	ssyncset.done $0x0  }
0xd8: {  	s9 =	rddreg [dreg:$0x5];
	[sflag:s7] =	ssyncadd.s32 $0xFFFFC000  }
0xd9: {  	[hbm4b:s9+s3] =	stream.linear.scatter [tilespmem:s5], [sflag:$0x2], $0x8000, $0x38;
	[tilespmem:$0x8D00] =	vst v63  }
0xda: {  	_ =	swait.ge [sflag:s4], $0x8000  }
0xdb: {  	[sflag:s4] =	ssyncset.done $0x0  }
0xdc: {  	s0 =	rddreg [dreg:$0x12];
	[sflag:s4] =	ssyncadd.s32 $0xFFFF8000  }
0xdd: {  	[tilespmem:s5], [sflag:$0x1] =	stream.indirect.gather [hbm4b:s2+s6], $0x80, s0, s6, $0xb8;
	[tilespmem:$0x8D00] =	vst v63  }
0xde: {  	s9 =	rddreg [dreg:$0x13]  }
0xdf: {  	[tilespmem:s8], [sflag:$0x1] =	stream.indirect.gather [hbm4b:s2+s6], $0x80, s9, s6, $0xb8;
	[tilespmem:$0x8D00] =	vst v63  }
0xe0: {  	_ =	swait.ge [sflag:s7], $0x4000  }
0xe1: {  	[sflag:s7] =	ssyncset.done $0x0  }
0xe2: {  	[sflag:s7] =	ssyncadd.s32 $0xFFFFC000  }
0xe3: {  	_ =	swait.ge [sflag:s7], $0x4000  }
0xe4: {  	[sflag:s7] =	ssyncset.done $0x0  }
0xe5: {  	s9 =	rddreg [dreg:$0x6];
	[sflag:s7] =	ssyncadd.s32 $0xFFFFC000  }
0xe6: {  	[hbm4b:s9+s3] =	stream.linear.scatter [tilespmem:s5], [sflag:$0x2], $0x8000, $0x38;
	[tilespmem:$0x8D00] =	vst v63  }
0xe7: {  	_ =	swait.ge [sflag:s4], $0x8000  }
0xe8: {  	[sflag:s4] =	ssyncset.done $0x0  }
0xe9: {  	[sflag:s4] =	ssyncadd.s32 $0xFFFF8000  }
0xea: {  	[tilespmem:s5], [sflag:$0x1] =	stream.indirect.gather [hbm4b:s2+s6], $0x80, s31, s6, $0xb8;
	[tilespmem:$0x8D00] =	vst v63  }
0xeb: {  	_ = 	snop  }
0xec: {  	[tilespmem:s8], [sflag:$0x1] =	stream.indirect.gather [hbm4b:s2+s6], $0x80, s16, s6, $0xb8;
	[tilespmem:$0x8D00] =	vst v63  }
0xed: {  	_ =	swait.ge [sflag:s7], $0x4000  }
0xee: {  	[sflag:s7] =	ssyncset.done $0x0  }
0xef: {  	[sflag:s7] =	ssyncadd.s32 $0xFFFFC000  }
0xf0: {  	_ =	swait.ge [sflag:s7], $0x4000  }
0xf1: {  	[sflag:s7] =	ssyncset.done $0x0  }
0xf2: {  	s9 =	rddreg [dreg:$0x7];
	[sflag:s7] =	ssyncadd.s32 $0xFFFFC000  }
0xf3: {  	[hbm4b:s9+s3] =	stream.linear.scatter [tilespmem:s5], [sflag:$0x2], $0x8000, $0x38;
	[tilespmem:$0x8D00] =	vst v63  }
0xf4: {  	_ =	swait.ge [sflag:s4], $0x8000  }
0xf5: {  	[sflag:s4] =	ssyncset.done $0x0  }
0xf6: {  	[sflag:s4] =	ssyncadd.s32 $0xFFFF8000  }
0xf7: {  	[tilespmem:s5], [sflag:$0x1] =	stream.indirect.gather [hbm4b:s2+s6], $0x80, s29, s6, $0xb8;
	[tilespmem:$0x8D00] =	vst v63  }
0xf8: {  	_ = 	snop  }
0xf9: {  	[tilespmem:s8], [sflag:$0x1] =	stream.indirect.gather [hbm4b:s2+s6], $0x80, s30, s6, $0xb8;
	[tilespmem:$0x8D00] =	vst v63  }
0xfa: {  	_ =	swait.ge [sflag:s7], $0x4000  }
0xfb: {  	[sflag:s7] =	ssyncset.done $0x0  }
0xfc: {  	[sflag:s7] =	ssyncadd.s32 $0xFFFFC000  }
0xfd: {  	_ =	swait.ge [sflag:s7], $0x4000  }
0xfe: {  	[sflag:s7] =	ssyncset.done $0x0  }
0xff: {  	s9 =	rddreg [dreg:$0x8];
	[sflag:s7] =	ssyncadd.s32 $0xFFFFC000  }
0x100: {  	[hbm4b:s9+s3] =	stream.linear.scatter [tilespmem:s5], [sflag:$0x2], $0x8000, $0x38;
	[tilespmem:$0x8D00] =	vst v63  }
0x101: {  	_ =	swait.ge [sflag:s4], $0x8000  }
0x102: {  	[sflag:s4] =	ssyncset.done $0x0  }
0x103: {  	[sflag:s4] =	ssyncadd.s32 $0xFFFF8000  }
0x104: {  	[tilespmem:s5], [sflag:$0x1] =	stream.indirect.gather [hbm4b:s2+s6], $0x80, s23, s6, $0xb8;
	[tilespmem:$0x8D00] =	vst v63  }
0x105: {  	_ = 	snop  }
0x106: {  	[tilespmem:s8], [sflag:$0x1] =	stream.indirect.gather [hbm4b:s2+s6], $0x80, s28, s6, $0xb8;
	[tilespmem:$0x8D00] =	vst v63  }
0x107: {  	_ =	swait.ge [sflag:s7], $0x4000  }
0x108: {  	[sflag:s7] =	ssyncset.done $0x0  }
0x109: {  	[sflag:s7] =	ssyncadd.s32 $0xFFFFC000  }
0x10a: {  	_ =	swait.ge [sflag:s7], $0x4000  }
0x10b: {  	[sflag:s7] =	ssyncset.done $0x0  }
0x10c: {  	s9 =	rddreg [dreg:$0x9];
	[sflag:s7] =	ssyncadd.s32 $0xFFFFC000  }
0x10d: {  	[hbm4b:s9+s3] =	stream.linear.scatter [tilespmem:s5], [sflag:$0x2], $0x8000, $0x38;
	[tilespmem:$0x8D00] =	vst v63  }
0x10e: {  	_ =	swait.ge [sflag:s4], $0x8000  }
0x10f: {  	[sflag:s4] =	ssyncset.done $0x0  }
0x110: {  	[sflag:s4] =	ssyncadd.s32 $0xFFFF8000  }
0x111: {  	[tilespmem:s5], [sflag:$0x1] =	stream.indirect.gather [hbm4b:s2+s6], $0x80, s25, s6, $0xb8;
	[tilespmem:$0x8D00] =	vst v63  }
0x112: {  	_ = 	snop  }
0x113: {  	[tilespmem:s8], [sflag:$0x1] =	stream.indirect.gather [hbm4b:s2+s6], $0x80, s26, s6, $0xb8;
	[tilespmem:$0x8D00] =	vst v63  }
0x114: {  	_ =	swait.ge [sflag:s7], $0x4000  }
0x115: {  	[sflag:s7] =	ssyncset.done $0x0  }
0x116: {  	[sflag:s7] =	ssyncadd.s32 $0xFFFFC000  }
0x117: {  	_ =	swait.ge [sflag:s7], $0x4000  }
0x118: {  	[sflag:s7] =	ssyncset.done $0x0  }
0x119: {  	s9 =	rddreg [dreg:$0xa];
	[sflag:s7] =	ssyncadd.s32 $0xFFFFC000  }
0x11a: {  	[hbm4b:s9+s3] =	stream.linear.scatter [tilespmem:s5], [sflag:$0x2], $0x8000, $0x38;
	[tilespmem:$0x8D00] =	vst v63  }
0x11b: {  	_ =	swait.ge [sflag:s4], $0x8000  }
0x11c: {  	[sflag:s4] =	ssyncset.done $0x0  }
0x11d: {  	[sflag:s4] =	ssyncadd.s32 $0xFFFF8000  }
0x11e: {  	[tilespmem:s5], [sflag:$0x1] =	stream.indirect.gather [hbm4b:s2+s6], $0x80, s22, s6, $0xb8;
	[tilespmem:$0x8D00] =	vst v63  }
0x11f: {  	_ = 	snop  }
0x120: {  	[tilespmem:s8], [sflag:$0x1] =	stream.indirect.gather [hbm4b:s2+s6], $0x80, s24, s6, $0xb8;
	[tilespmem:$0x8D00] =	vst v63  }
0x121: {  	_ =	swait.ge [sflag:s7], $0x4000  }
0x122: {  	[sflag:s7] =	ssyncset.done $0x0  }
0x123: {  	[sflag:s7] =	ssyncadd.s32 $0xFFFFC000  }
0x124: {  	_ =	swait.ge [sflag:s7], $0x4000  }
0x125: {  	[sflag:s7] =	ssyncset.done $0x0  }
0x126: {  	s9 =	rddreg [dreg:$0xb];
	[sflag:s7] =	ssyncadd.s32 $0xFFFFC000  }
0x127: {  	[hbm4b:s9+s3] =	stream.linear.scatter [tilespmem:s5], [sflag:$0x2], $0x8000, $0x38;
	[tilespmem:$0x8D00] =	vst v63  }
0x128: {  	_ =	swait.ge [sflag:s4], $0x8000  }
0x129: {  	[sflag:s4] =	ssyncset.done $0x0  }
0x12a: {  	[sflag:s4] =	ssyncadd.s32 $0xFFFF8000  }
0x12b: {  	[tilespmem:s5], [sflag:$0x1] =	stream.indirect.gather [hbm4b:s2+s6], $0x80, s20, s6, $0xb8;
	[tilespmem:$0x8D00] =	vst v63  }
0x12c: {  	_ = 	snop  }
0x12d: {  	[tilespmem:s8], [sflag:$0x1] =	stream.indirect.gather [hbm4b:s2+s6], $0x80, s21, s6, $0xb8;
	[tilespmem:$0x8D00] =	vst v63  }
0x12e: {  	_ =	swait.ge [sflag:s7], $0x4000  }
0x12f: {  	[sflag:s7] =	ssyncset.done $0x0  }
0x130: {  	[sflag:s7] =	ssyncadd.s32 $0xFFFFC000  }
0x131: {  	_ =	swait.ge [sflag:s7], $0x4000  }
0x132: {  	[sflag:s7] =	ssyncset.done $0x0  }
0x133: {  	s9 =	rddreg [dreg:$0xc];
	[sflag:s7] =	ssyncadd.s32 $0xFFFFC000  }
0x134: {  	[hbm4b:s9+s3] =	stream.linear.scatter [tilespmem:s5], [sflag:$0x2], $0x8000, $0x38;
	[tilespmem:$0x8D00] =	vst v63  }
0x135: {  	_ =	swait.ge [sflag:s4], $0x8000  }
0x136: {  	[sflag:s4] =	ssyncset.done $0x0  }
0x137: {  	[sflag:s4] =	ssyncadd.s32 $0xFFFF8000  }
0x138: {  	[tilespmem:s5], [sflag:$0x1] =	stream.indirect.gather [hbm4b:s2+s6], $0x80, s18, s6, $0xb8;
	[tilespmem:$0x8D00] =	vst v63  }
0x139: {  	_ = 	snop  }
0x13a: {  	[tilespmem:s8], [sflag:$0x1] =	stream.indirect.gather [hbm4b:s2+s6], $0x80, s19, s6, $0xb8;
	[tilespmem:$0x8D00] =	vst v63  }
0x13b: {  	_ =	swait.ge [sflag:s7], $0x4000  }
0x13c: {  	[sflag:s7] =	ssyncset.done $0x0  }
0x13d: {  	[sflag:s7] =	ssyncadd.s32 $0xFFFFC000  }
0x13e: {  	_ =	swait.ge [sflag:s7], $0x4000  }
0x13f: {  	[sflag:s7] =	ssyncset.done $0x0  }
0x140: {  	s9 =	rddreg [dreg:$0xd];
	[sflag:s7] =	ssyncadd.s32 $0xFFFFC000  }
0x141: {  	[hbm4b:s9+s3] =	stream.linear.scatter [tilespmem:s5], [sflag:$0x2], $0x8000, $0x38;
	[tilespmem:$0x8D00] =	vst v63  }
0x142: {  	_ =	swait.ge [sflag:s4], $0x8000  }
0x143: {  	[sflag:s4] =	ssyncset.done $0x0  }
0x144: {  	s9 =	simm.s32 $0x900;
	[sflag:s4] =	ssyncadd.s32 $0xFFFF8000  }
0x145: {  	[tilespmem:s5], [sflag:$0x1] =	stream.indirect.gather [hbm4b:s2+s6], $0x80, s9, s6, $0xb8;
	[tilespmem:$0x8D00] =	vst v63  }
0x146: {  	_ = 	snop  }
0x147: {  	[tilespmem:s8], [sflag:$0x1] =	stream.indirect.gather [hbm4b:s2+s6], $0x80, s17, s6, $0xb8;
	[tilespmem:$0x8D00] =	vst v63  }
0x148: {  	_ =	swait.ge [sflag:s7], $0x4000  }
0x149: {  	[sflag:s7] =	ssyncset.done $0x0  }
0x14a: {  	[sflag:s7] =	ssyncadd.s32 $0xFFFFC000  }
0x14b: {  	_ =	swait.ge [sflag:s7], $0x4000  }
0x14c: {  	[sflag:s7] =	ssyncset.done $0x0  }
0x14d: {  	s9 =	rddreg [dreg:$0xe];
	[sflag:s7] =	ssyncadd.s32 $0xFFFFC000  }
0x14e: {  	[hbm4b:s9+s3] =	stream.linear.scatter [tilespmem:s5], [sflag:$0x2], $0x8000, $0x38;
	[tilespmem:$0x8D00] =	vst v63  }
0x14f: {  	_ =	swait.ge [sflag:s4], $0x8000  }
0x150: {  	[sflag:s4] =	ssyncset.done $0x0  }
0x151: {  	[sflag:s4] =	ssyncadd.s32 $0xFFFF8000  }
0x152: {  	[tilespmem:s5], [sflag:$0x1] =	stream.indirect.gather [hbm4b:s2+s6], $0x80, s14, s6, $0xb8;
	[tilespmem:$0x8D00] =	vst v63  }
0x153: {  	_ = 	snop  }
0x154: {  	[tilespmem:s8], [sflag:$0x1] =	stream.indirect.gather [hbm4b:s2+s6], $0x80, s15, s6, $0xb8;
	[tilespmem:$0x8D00] =	vst v63  }
0x155: {  	_ =	swait.ge [sflag:s7], $0x4000  }
0x156: {  	[sflag:s7] =	ssyncset.done $0x0  }
0x157: {  	[sflag:s7] =	ssyncadd.s32 $0xFFFFC000  }
0x158: {  	_ =	swait.ge [sflag:s7], $0x4000  }
0x159: {  	[sflag:s7] =	ssyncset.done $0x0  }
0x15a: {  	s9 =	rddreg [dreg:$0xf];
	[sflag:s7] =	ssyncadd.s32 $0xFFFFC000  }
0x15b: {  	[hbm4b:s9+s3] =	stream.linear.scatter [tilespmem:s5], [sflag:$0x2], $0x8000, $0x38;
	[tilespmem:$0x8D00] =	vst v63  }
0x15c: {  	_ =	swait.ge [sflag:s4], $0x8000  }
0x15d: {  	[sflag:s4] =	ssyncset.done $0x0  }
0x15e: {  	[sflag:s4] =	ssyncadd.s32 $0xFFFF8000  }
0x15f: {  	[tilespmem:s5], [sflag:$0x1] =	stream.indirect.gather [hbm4b:s2+s6], $0x80, s12, s6, $0xb8;
	[tilespmem:$0x8D00] =	vst v63  }
0x160: {  	_ = 	snop  }
0x161: {  	[tilespmem:s8], [sflag:$0x1] =	stream.indirect.gather [hbm4b:s2+s6], $0x80, s13, s6, $0xb8;
	[tilespmem:$0x8D00] =	vst v63  }
0x162: {  	_ =	swait.ge [sflag:s7], $0x4000  }
0x163: {  	[sflag:s7] =	ssyncset.done $0x0  }
0x164: {  	[sflag:s7] =	ssyncadd.s32 $0xFFFFC000  }
0x165: {  	_ =	swait.ge [sflag:s7], $0x4000  }
0x166: {  	[sflag:s7] =	ssyncset.done $0x0  }
0x167: {  	s9 =	rddreg [dreg:$0x10];
	[sflag:s7] =	ssyncadd.s32 $0xFFFFC000  }
0x168: {  	[hbm4b:s9+s3] =	stream.linear.scatter [tilespmem:s5], [sflag:$0x2], $0x8000, $0x38;
	[tilespmem:$0x8D00] =	vst v63  }
0x169: {  	_ =	swait.ge [sflag:s4], $0x8000  }
0x16a: {  	[sflag:s4] =	ssyncset.done $0x0  }
0x16b: {  	[sflag:s4] =	ssyncadd.s32 $0xFFFF8000  }
0x16c: {  	[tilespmem:s5], [sflag:$0x1] =	stream.indirect.gather [hbm4b:s2+s6], $0x80, s10, s6, $0xb8;
	[tilespmem:$0x8D00] =	vst v63  }
0x16d: {  	_ = 	snop  }
0x16e: {  	[tilespmem:s8], [sflag:$0x1] =	stream.indirect.gather [hbm4b:s2+s6], $0x80, s11, s6, $0xb8;
	[tilespmem:$0x8D00] =	vst v63  }
0x16f: {  	_ =	swait.ge [sflag:s7], $0x4000  }
0x170: {  	[sflag:s7] =	ssyncset.done $0x0  }
0x171: {  	[sflag:s7] =	ssyncadd.s32 $0xFFFFC000  }
0x172: {  	p1 =	sne.s32 s1, $0x1;
	_ =	swait.ge [sflag:s7], $0x4000  }
.Ltmp2:
0x173: {  	[sflag:s7] =	ssyncset.done $0x0;
	(pc) =	sbr.rel @p1 .LBB2_4-.Ltmp2, $4  }
0x174: {  	s9 =	rddreg [dreg:$0x11];
	[sflag:s7] =	ssyncadd.s32 $0xFFFFC000  }
0x175: {  	[hbm4b:s9+s3] =	stream.linear.scatter [tilespmem:s5], [sflag:$0x2], $0x8000, $0x38;
	[tilespmem:$0x8D00] =	vst v63  }
0x176: {  	_ =	swait.ge [sflag:s4], $0x8000  }
0x177: {  	s1 =	sadd.s32 $0xFFFFFFFF, s1;
	s0 =	rddreg [dreg:$0x4];
	[sflag:s4] =	ssyncset.done $0x0  }
0x178: {  	s11 =	simm.s32 $0x280;
	s31 =	simm.s32 $0x200;
	s30 =	simm.s32 $0x380  }
0x179: {  	s29 =	simm.s32 $0x300;
	s28 =	simm.s32 $0x480;
	s26 =	simm.s32 $0x580  }
0x17a: {  	s25 =	simm.s32 $0x500;
	s24 =	simm.s32 $0x680;
	s22 =	simm.s32 $0x600  }
0x17b: {  	s21 =	simm.s32 $0x780;
	s20 =	simm.s32 $0x700;
	s19 =	simm.s32 $0x880  }
0x17c: {  	s18 =	simm.s32 $0x800;
	s17 =	simm.s32 $0x980;
	s16 =	simm.s32 $0x900  }
0x17d: {  	s15 =	simm.s32 $0xA80;
	s14 =	simm.s32 $0xA00;
	s13 =	simm.s32 $0xB80  }
0x17e: {  	s12 =	simm.s32 $0xB00;
	s10 =	simm.s32 $0xC00;
	s9 =	stileid.u32  }
.LBB2_6:
0x17f: {  	[sflag:s4] =	ssyncadd.s32 @p0 $0xFFFF8000  }
0x180: {  	[tilespmem:s3], [sflag:$0x2] =	stream.strided.gather [hbm4b:s0+s6], $0xD00, s23, s6, $0x38;
	[tilespmem:$0x8D00] =	vst v63  }
0x181: {  	_ =	swait.ge [sflag:s4], $0xD00  }
0x182: {  	[sflag:s4] =	ssyncset.done $0x0  }
0x183: {  	[sflag:s4] =	ssyncadd.s32 $0xFFFFF300  }
0x184: {  	[tilespmem:s5], [sflag:$0x1] =	stream.indirect.gather [hbm4b:s2+s6], $0x80, s3, s6, $0xb8;
	[tilespmem:$0x8D00] =	vst v63  }
0x185: {  	_ = 	snop  }
0x186: {  	[tilespmem:s8], [sflag:$0x1] =	stream.indirect.gather [hbm4b:s2+s6], $0x80, s6, s6, $0xb8;
	[tilespmem:$0x8D00] =	vst v63  }
0x187: {  	_ =	swait.ge [sflag:s7], $0x4000  }
0x188: {  	[sflag:s7] =	ssyncset.done $0x0  }
0x189: {  	[sflag:s7] =	ssyncadd.s32 $0xFFFFC000  }
0x18a: {  	_ =	swait.ge [sflag:s7], $0x4000  }
0x18b: {  	[sflag:s7] =	ssyncset.done $0x0  }
0x18c: {  	s1 =	rddreg [dreg:$0x5];
	[sflag:s7] =	ssyncadd.s32 $0xFFFFC000  }
0x18d: {  	[hbm4b:s1+s3] =	stream.linear.scatter [tilespmem:s5], [sflag:$0x2], $0x8000, $0x38;
	[tilespmem:$0x8D00] =	vst v63  }
0x18e: {  	_ =	swait.ge [sflag:s4], $0x8000  }
0x18f: {  	[sflag:s4] =	ssyncset.done $0x0  }
0x190: {  	s0 =	rddreg [dreg:$0x12];
	[sflag:s4] =	ssyncadd.s32 $0xFFFF8000  }
0x191: {  	[tilespmem:s5], [sflag:$0x1] =	stream.indirect.gather [hbm4b:s2+s6], $0x80, s0, s6, $0xb8;
	[tilespmem:$0x8D00] =	vst v63  }
0x192: {  	s1 =	rddreg [dreg:$0x13]  }
0x193: {  	[tilespmem:s8], [sflag:$0x1] =	stream.indirect.gather [hbm4b:s2+s6], $0x80, s1, s6, $0xb8;
	[tilespmem:$0x8D00] =	vst v63  }
0x194: {  	_ =	swait.ge [sflag:s7], $0x4000  }
0x195: {  	[sflag:s7] =	ssyncset.done $0x0  }
0x196: {  	[sflag:s7] =	ssyncadd.s32 $0xFFFFC000  }
0x197: {  	_ =	swait.ge [sflag:s7], $0x4000  }
0x198: {  	[sflag:s7] =	ssyncset.done $0x0  }
0x199: {  	s1 =	rddreg [dreg:$0x6];
	[sflag:s7] =	ssyncadd.s32 $0xFFFFC000  }
0x19a: {  	[hbm4b:s1+s3] =	stream.linear.scatter [tilespmem:s5], [sflag:$0x2], $0x8000, $0x38;
	[tilespmem:$0x8D00] =	vst v63  }
0x19b: {  	_ =	swait.ge [sflag:s4], $0x8000  }
0x19c: {  	[sflag:s4] =	ssyncset.done $0x0  }
0x19d: {  	[sflag:s4] =	ssyncadd.s32 $0xFFFF8000  }
0x19e: {  	[tilespmem:s5], [sflag:$0x1] =	stream.indirect.gather [hbm4b:s2+s6], $0x80, s31, s6, $0xb8;
	[tilespmem:$0x8D00] =	vst v63  }
0x19f: {  	_ = 	snop  }
0x1a0: {  	[tilespmem:s8], [sflag:$0x1] =	stream.indirect.gather [hbm4b:s2+s6], $0x80, s11, s6, $0xb8;
	[tilespmem:$0x8D00] =	vst v63  }
0x1a1: {  	_ =	swait.ge [sflag:s7], $0x4000  }
0x1a2: {  	[sflag:s7] =	ssyncset.done $0x0  }
0x1a3: {  	[sflag:s7] =	ssyncadd.s32 $0xFFFFC000  }
0x1a4: {  	_ =	swait.ge [sflag:s7], $0x4000  }
0x1a5: {  	[sflag:s7] =	ssyncset.done $0x0  }
0x1a6: {  	s11 =	rddreg [dreg:$0x7];
	[sflag:s7] =	ssyncadd.s32 $0xFFFFC000  }
0x1a7: {  	[hbm4b:s11+s3] =	stream.linear.scatter [tilespmem:s5], [sflag:$0x2], $0x8000, $0x38;
	[tilespmem:$0x8D00] =	vst v63  }
0x1a8: {  	_ =	swait.ge [sflag:s4], $0x8000  }
0x1a9: {  	[sflag:s4] =	ssyncset.done $0x0  }
0x1aa: {  	[sflag:s4] =	ssyncadd.s32 $0xFFFF8000  }
0x1ab: {  	[tilespmem:s5], [sflag:$0x1] =	stream.indirect.gather [hbm4b:s2+s6], $0x80, s29, s6, $0xb8;
	[tilespmem:$0x8D00] =	vst v63  }
0x1ac: {  	_ = 	snop  }
0x1ad: {  	[tilespmem:s8], [sflag:$0x1] =	stream.indirect.gather [hbm4b:s2+s6], $0x80, s30, s6, $0xb8;
	[tilespmem:$0x8D00] =	vst v63  }
0x1ae: {  	_ =	swait.ge [sflag:s7], $0x4000  }
0x1af: {  	[sflag:s7] =	ssyncset.done $0x0  }
0x1b0: {  	[sflag:s7] =	ssyncadd.s32 $0xFFFFC000  }
0x1b1: {  	_ =	swait.ge [sflag:s7], $0x4000  }
0x1b2: {  	[sflag:s7] =	ssyncset.done $0x0  }
0x1b3: {  	s31 =	rddreg [dreg:$0x8];
	[sflag:s7] =	ssyncadd.s32 $0xFFFFC000  }
0x1b4: {  	[hbm4b:s31+s3] =	stream.linear.scatter [tilespmem:s5], [sflag:$0x2], $0x8000, $0x38;
	[tilespmem:$0x8D00] =	vst v63  }
0x1b5: {  	_ =	swait.ge [sflag:s4], $0x8000  }
0x1b6: {  	[sflag:s4] =	ssyncset.done $0x0  }
0x1b7: {  	[sflag:s4] =	ssyncadd.s32 $0xFFFF8000  }
0x1b8: {  	[tilespmem:s5], [sflag:$0x1] =	stream.indirect.gather [hbm4b:s2+s6], $0x80, s23, s6, $0xb8;
	[tilespmem:$0x8D00] =	vst v63  }
0x1b9: {  	_ = 	snop  }
0x1ba: {  	[tilespmem:s8], [sflag:$0x1] =	stream.indirect.gather [hbm4b:s2+s6], $0x80, s28, s6, $0xb8;
	[tilespmem:$0x8D00] =	vst v63  }
0x1bb: {  	_ =	swait.ge [sflag:s7], $0x4000  }
0x1bc: {  	[sflag:s7] =	ssyncset.done $0x0  }
0x1bd: {  	[sflag:s7] =	ssyncadd.s32 $0xFFFFC000  }
0x1be: {  	_ =	swait.ge [sflag:s7], $0x4000  }
0x1bf: {  	[sflag:s7] =	ssyncset.done $0x0  }
0x1c0: {  	s1 =	rddreg [dreg:$0x9];
	[sflag:s7] =	ssyncadd.s32 $0xFFFFC000  }
0x1c1: {  	[hbm4b:s1+s3] =	stream.linear.scatter [tilespmem:s5], [sflag:$0x2], $0x8000, $0x38;
	[tilespmem:$0x8D00] =	vst v63  }
0x1c2: {  	_ =	swait.ge [sflag:s4], $0x8000  }
0x1c3: {  	[sflag:s4] =	ssyncset.done $0x0  }
0x1c4: {  	[sflag:s4] =	ssyncadd.s32 $0xFFFF8000  }
0x1c5: {  	[tilespmem:s5], [sflag:$0x1] =	stream.indirect.gather [hbm4b:s2+s6], $0x80, s25, s6, $0xb8;
	[tilespmem:$0x8D00] =	vst v63  }
0x1c6: {  	_ = 	snop  }
0x1c7: {  	[tilespmem:s8], [sflag:$0x1] =	stream.indirect.gather [hbm4b:s2+s6], $0x80, s26, s6, $0xb8;
	[tilespmem:$0x8D00] =	vst v63  }
0x1c8: {  	_ =	swait.ge [sflag:s7], $0x4000  }
0x1c9: {  	[sflag:s7] =	ssyncset.done $0x0  }
0x1ca: {  	[sflag:s7] =	ssyncadd.s32 $0xFFFFC000  }
0x1cb: {  	_ =	swait.ge [sflag:s7], $0x4000  }
0x1cc: {  	[sflag:s7] =	ssyncset.done $0x0  }
0x1cd: {  	s11 =	rddreg [dreg:$0xa];
	[sflag:s7] =	ssyncadd.s32 $0xFFFFC000  }
0x1ce: {  	[hbm4b:s11+s3] =	stream.linear.scatter [tilespmem:s5], [sflag:$0x2], $0x8000, $0x38;
	[tilespmem:$0x8D00] =	vst v63  }
0x1cf: {  	_ =	swait.ge [sflag:s4], $0x8000  }
0x1d0: {  	[sflag:s4] =	ssyncset.done $0x0  }
0x1d1: {  	[sflag:s4] =	ssyncadd.s32 $0xFFFF8000  }
0x1d2: {  	[tilespmem:s5], [sflag:$0x1] =	stream.indirect.gather [hbm4b:s2+s6], $0x80, s22, s6, $0xb8;
	[tilespmem:$0x8D00] =	vst v63  }
0x1d3: {  	_ = 	snop  }
0x1d4: {  	[tilespmem:s8], [sflag:$0x1] =	stream.indirect.gather [hbm4b:s2+s6], $0x80, s24, s6, $0xb8;
	[tilespmem:$0x8D00] =	vst v63  }
0x1d5: {  	_ =	swait.ge [sflag:s7], $0x4000  }
0x1d6: {  	[sflag:s7] =	ssyncset.done $0x0  }
0x1d7: {  	[sflag:s7] =	ssyncadd.s32 $0xFFFFC000  }
0x1d8: {  	_ =	swait.ge [sflag:s7], $0x4000  }
0x1d9: {  	[sflag:s7] =	ssyncset.done $0x0  }
0x1da: {  	s23 =	rddreg [dreg:$0xb];
	[sflag:s7] =	ssyncadd.s32 $0xFFFFC000  }
0x1db: {  	[hbm4b:s23+s3] =	stream.linear.scatter [tilespmem:s5], [sflag:$0x2], $0x8000, $0x38;
	[tilespmem:$0x8D00] =	vst v63  }
0x1dc: {  	_ =	swait.ge [sflag:s4], $0x8000  }
0x1dd: {  	[sflag:s4] =	ssyncset.done $0x0  }
0x1de: {  	[sflag:s4] =	ssyncadd.s32 $0xFFFF8000  }
0x1df: {  	[tilespmem:s5], [sflag:$0x1] =	stream.indirect.gather [hbm4b:s2+s6], $0x80, s20, s6, $0xb8;
	[tilespmem:$0x8D00] =	vst v63  }
0x1e0: {  	_ = 	snop  }
0x1e1: {  	[tilespmem:s8], [sflag:$0x1] =	stream.indirect.gather [hbm4b:s2+s6], $0x80, s21, s6, $0xb8;
	[tilespmem:$0x8D00] =	vst v63  }
0x1e2: {  	_ =	swait.ge [sflag:s7], $0x4000  }
0x1e3: {  	[sflag:s7] =	ssyncset.done $0x0  }
0x1e4: {  	[sflag:s7] =	ssyncadd.s32 $0xFFFFC000  }
0x1e5: {  	_ =	swait.ge [sflag:s7], $0x4000  }
0x1e6: {  	[sflag:s7] =	ssyncset.done $0x0  }
0x1e7: {  	s24 =	rddreg [dreg:$0xc];
	[sflag:s7] =	ssyncadd.s32 $0xFFFFC000  }
0x1e8: {  	[hbm4b:s24+s3] =	stream.linear.scatter [tilespmem:s5], [sflag:$0x2], $0x8000, $0x38;
	[tilespmem:$0x8D00] =	vst v63  }
0x1e9: {  	_ =	swait.ge [sflag:s4], $0x8000  }
0x1ea: {  	[sflag:s4] =	ssyncset.done $0x0  }
0x1eb: {  	[sflag:s4] =	ssyncadd.s32 $0xFFFF8000  }
0x1ec: {  	[tilespmem:s5], [sflag:$0x1] =	stream.indirect.gather [hbm4b:s2+s6], $0x80, s18, s6, $0xb8;
	[tilespmem:$0x8D00] =	vst v63  }
0x1ed: {  	_ = 	snop  }
0x1ee: {  	[tilespmem:s8], [sflag:$0x1] =	stream.indirect.gather [hbm4b:s2+s6], $0x80, s19, s6, $0xb8;
	[tilespmem:$0x8D00] =	vst v63  }
0x1ef: {  	_ =	swait.ge [sflag:s7], $0x4000  }
0x1f0: {  	[sflag:s7] =	ssyncset.done $0x0  }
0x1f1: {  	[sflag:s7] =	ssyncadd.s32 $0xFFFFC000  }
0x1f2: {  	_ =	swait.ge [sflag:s7], $0x4000  }
0x1f3: {  	[sflag:s7] =	ssyncset.done $0x0  }
0x1f4: {  	s25 =	rddreg [dreg:$0xd];
	[sflag:s7] =	ssyncadd.s32 $0xFFFFC000  }
0x1f5: {  	[hbm4b:s25+s3] =	stream.linear.scatter [tilespmem:s5], [sflag:$0x2], $0x8000, $0x38;
	[tilespmem:$0x8D00] =	vst v63  }
0x1f6: {  	_ =	swait.ge [sflag:s4], $0x8000  }
0x1f7: {  	[sflag:s4] =	ssyncset.done $0x0  }
0x1f8: {  	[sflag:s4] =	ssyncadd.s32 $0xFFFF8000  }
0x1f9: {  	[tilespmem:s5], [sflag:$0x1] =	stream.indirect.gather [hbm4b:s2+s6], $0x80, s16, s6, $0xb8;
	[tilespmem:$0x8D00] =	vst v63  }
0x1fa: {  	_ = 	snop  }
0x1fb: {  	[tilespmem:s8], [sflag:$0x1] =	stream.indirect.gather [hbm4b:s2+s6], $0x80, s17, s6, $0xb8;
	[tilespmem:$0x8D00] =	vst v63  }
0x1fc: {  	_ =	swait.ge [sflag:s7], $0x4000  }
0x1fd: {  	[sflag:s7] =	ssyncset.done $0x0  }
0x1fe: {  	[sflag:s7] =	ssyncadd.s32 $0xFFFFC000  }
0x1ff: {  	_ =	swait.ge [sflag:s7], $0x4000  }
0x200: {  	[sflag:s7] =	ssyncset.done $0x0  }
0x201: {  	s26 =	rddreg [dreg:$0xe];
	[sflag:s7] =	ssyncadd.s32 $0xFFFFC000  }
0x202: {  	[hbm4b:s26+s3] =	stream.linear.scatter [tilespmem:s5], [sflag:$0x2], $0x8000, $0x38;
	[tilespmem:$0x8D00] =	vst v63  }
0x203: {  	_ =	swait.ge [sflag:s4], $0x8000  }
0x204: {  	[sflag:s4] =	ssyncset.done $0x0  }
0x205: {  	[sflag:s4] =	ssyncadd.s32 $0xFFFF8000  }
0x206: {  	[tilespmem:s5], [sflag:$0x1] =	stream.indirect.gather [hbm4b:s2+s6], $0x80, s14, s6, $0xb8;
	[tilespmem:$0x8D00] =	vst v63  }
0x207: {  	_ = 	snop  }
0x208: {  	[tilespmem:s8], [sflag:$0x1] =	stream.indirect.gather [hbm4b:s2+s6], $0x80, s15, s6, $0xb8;
	[tilespmem:$0x8D00] =	vst v63  }
0x209: {  	_ =	swait.ge [sflag:s7], $0x4000  }
0x20a: {  	[sflag:s7] =	ssyncset.done $0x0  }
0x20b: {  	[sflag:s7] =	ssyncadd.s32 $0xFFFFC000  }
0x20c: {  	_ =	swait.ge [sflag:s7], $0x4000  }
0x20d: {  	[sflag:s7] =	ssyncset.done $0x0  }
0x20e: {  	s28 =	rddreg [dreg:$0xf];
	[sflag:s7] =	ssyncadd.s32 $0xFFFFC000  }
0x20f: {  	[hbm4b:s28+s3] =	stream.linear.scatter [tilespmem:s5], [sflag:$0x2], $0x8000, $0x38;
	[tilespmem:$0x8D00] =	vst v63  }
0x210: {  	_ =	swait.ge [sflag:s4], $0x8000  }
0x211: {  	[sflag:s4] =	ssyncset.done $0x0  }
0x212: {  	[sflag:s4] =	ssyncadd.s32 $0xFFFF8000  }
0x213: {  	[tilespmem:s5], [sflag:$0x1] =	stream.indirect.gather [hbm4b:s2+s6], $0x80, s12, s6, $0xb8;
	[tilespmem:$0x8D00] =	vst v63  }
0x214: {  	_ = 	snop  }
0x215: {  	[tilespmem:s8], [sflag:$0x1] =	stream.indirect.gather [hbm4b:s2+s6], $0x80, s13, s6, $0xb8;
	[tilespmem:$0x8D00] =	vst v63  }
0x216: {  	_ =	swait.ge [sflag:s7], $0x4000  }
0x217: {  	[sflag:s7] =	ssyncset.done $0x0  }
0x218: {  	[sflag:s7] =	ssyncadd.s32 $0xFFFFC000  }
0x219: {  	_ =	swait.ge [sflag:s7], $0x4000  }
0x21a: {  	[sflag:s7] =	ssyncset.done $0x0  }
0x21b: {  	s29 =	rddreg [dreg:$0x10];
	[sflag:s7] =	ssyncadd.s32 $0xFFFFC000  }
0x21c: {  	[hbm4b:s29+s3] =	stream.linear.scatter [tilespmem:s5], [sflag:$0x2], $0x8000, $0x38;
	[tilespmem:$0x8D00] =	vst v63  }
0x21d: {  	_ =	swait.ge [sflag:s4], $0x8000  }
0x21e: {  	[sflag:s4] =	ssyncset.done $0x0  }
0x21f: {  	[sflag:s4] =	ssyncadd.s32 $0xFFFF8000  }
0x220: {  	[tilespmem:s5], [sflag:$0x1] =	stream.indirect.gather [hbm4b:s2+s6], $0x80, s10, s6, $0xb8;
	[tilespmem:$0x8D00] =	vst v63  }
0x221: {  	s30 =	simm.s32 $0xC80  }
0x222: {  	[tilespmem:s8], [sflag:$0x1] =	stream.indirect.gather [hbm4b:s2+s6], $0x80, s30, s6, $0xb8;
	[tilespmem:$0x8D00] =	vst v63  }
0x223: {  	_ =	swait.ge [sflag:s7], $0x4000  }
0x224: {  	[sflag:s7] =	ssyncset.done $0x0  }
0x225: {  	[sflag:s7] =	ssyncadd.s32 $0xFFFFC000  }
0x226: {  	_ =	swait.ge [sflag:s7], $0x4000  }
0x227: {  	[sflag:s7] =	ssyncset.done $0x0  }
0x228: {  	s31 =	rddreg [dreg:$0x11];
	[sflag:s7] =	ssyncadd.s32 $0xFFFFC000  }
0x229: {  	[hbm4b:s31+s3] =	stream.linear.scatter [tilespmem:s5], [sflag:$0x2], $0x8000, $0x38;
	[tilespmem:$0x8D00] =	vst v63  }
0x22a: {  	_ =	swait.ge [sflag:s4], $0x8000  }
0x22b: {  	[sflag:s4] =	ssyncset.done $0x0  }
0x22c: {  	[sflag:s4] =	ssyncadd.s32 $0xFFFF8000  }
0x22d: {  	_ =	sfence.sel $0x180000  }
0x22e: {  	[bflag:$0x0] =	sbarrier.arrive $0xFFFF  }
0x22f: {  	_ =	strace $0x90000047  }
0x230: {  	[bflag:$0x2] =	sbarrier.arrive $0xFFFF  }
0x231: {  	p0 =	sne.s32 s9, $0x0;
	s0 =	rddreg [dreg:$0x3]  }
0x232: {  	s0 =	sadd.s32 @!p0 $0x100000, s0  }
0x233: {  	[sflag:s0] =	ssyncadd.tile.s32 @!p0 $0x1;
	_ =	shalt  }
.LBB2_1:
0x234: {  	s11 =	simm.s32 $0x280;
	s31 =	simm.s32 $0x200;
	s30 =	simm.s32 $0x380  }
0x235: {  	s29 =	simm.s32 $0x300;
	s28 =	simm.s32 $0x480;
	s26 =	simm.s32 $0x580  }
.Ltmp3:
0x236: {  	s25 =	simm.s32 $0x500;
	s24 =	simm.s32 $0x680;
	(pc) =	sbr.rel .LBB2_6-.Ltmp3, $4  }
0x237: {  	s22 =	simm.s32 $0x600;
	s21 =	simm.s32 $0x780;
	s20 =	simm.s32 $0x700  }
0x238: {  	s19 =	simm.s32 $0x880;
	s18 =	simm.s32 $0x800;
	s17 =	simm.s32 $0x980  }
0x239: {  	s16 =	simm.s32 $0x900;
	s15 =	simm.s32 $0xA80;
	s14 =	simm.s32 $0xA00  }
0x23a: {  	s13 =	simm.s32 $0xB80;
	s12 =	simm.s32 $0xB00;
	s10 =	simm.s32 $0xC00  }
.LBB2_3:
0x23b: {  	s11 =	simm.s32 $0x280  }
0x23c: {  	s31 =	simm.s32 $0x200;
	s30 =	simm.s32 $0x380;
	s29 =	simm.s32 $0x300  }
0x23d: {  	s28 =	simm.s32 $0x480;
	s26 =	simm.s32 $0x580;
	s25 =	simm.s32 $0x500  }
.Ltmp4:
0x23e: {  	s24 =	simm.s32 $0x680;
	s22 =	simm.s32 $0x600;
	(pc) =	sbr.rel .LBB2_6-.Ltmp4, $4  }
0x23f: {  	s21 =	simm.s32 $0x780;
	s20 =	simm.s32 $0x700;
	s19 =	simm.s32 $0x880  }
0x240: {  	s18 =	simm.s32 $0x800;
	s17 =	simm.s32 $0x980;
	s16 =	simm.s32 $0x900  }
0x241: {  	s15 =	simm.s32 $0xA80;
	s14 =	simm.s32 $0xA00;
	s13 =	simm.s32 $0xB80  }
0x242: {  	s12 =	simm.s32 $0xB00;
	s10 =	simm.s32 $0xC00;
	s9 =	stileid.u32  }
.Lfunc_end2:
_tile_overlayer_lowered:
.L_overlay_start_2:
0x243: {  	(tag) =	ssettag $0x2  }
0x244: {  	s0 =	rddreg [dreg:$0x0];
	s2 =	stileid.u32  }
0x245: {  	s1 =	rddreg [dreg:$0x1];
	p0 =	sne.s32 s2, $0x0  }
0x246: {  	s3 =	rddreg [dreg:$0x2];
	[bflag:$0x3] =	sbarrier.arrive $0xFFFF;
	s2 =	simm.s32 @!p0 $0x1C02  }
0x247: {  	[timem:s3], [sflag:s2] =	dma.local @!p0 [hbm:s0], s1  }
0x248: {  	s0 =	simm.s32 @!p0 $0x2  }
0x249: {  	_ =	swait.ge @!p0 [sflag:s0], s1  }
0x24a: {  	s1 =	ssub.s32 @!p0 $0x0, s1;
	[sflag:s0] =	ssyncset.done @!p0 $0x0  }
0x24b: {  	[sflag:s0] =	ssyncadd.s32 @!p0 s1  }
0x24c: {  	[bflag:$0x3] =	sbarrier.arrive $0xFFFF  }
0x24d: {  	_ =	shalt  }

</sc_bundles>
